<compile_context>
chip_gen: v7x
topology: tpu7x:2x2x1
jax: 0.10.2.dev20260603
libtpu: 0.0.44.dev20260713+nightly
codegen_flags: <defaults>
</compile_context>

<pallas_src>
import functools

import jax
import jax.numpy as jnp
from jax import lax
from jax.experimental import pallas as pl
from jax.experimental.pallas import tpu as pltpu
from jax.experimental.pallas import tpu_sc as plsc

B = 16384
D = 64
BRAND_V = 100000
SMALL_VOCABS = (100, 4, 256, 1000)

_NC, _NS = 2, 16
NW = _NC * _NS
B_PER_W = B // NW
CHUNK = 128
NCHUNK = B_PER_W // CHUNK


def _sc_gather_brand(table, idx_all):
    mesh = plsc.VectorSubcoreMesh(core_axis_name="c", subcore_axis_name="s")

    @functools.partial(
        pl.kernel,
        mesh=mesh,
        out_type=jax.ShapeDtypeStruct((NW, NCHUNK, CHUNK, D), jnp.float32),
        scratch_types=[
            pltpu.VMEM((NCHUNK, CHUNK), jnp.int32),
            pltpu.VMEM((NCHUNK, CHUNK, D), jnp.float32),
            pltpu.SemaphoreType.DMA,
        ],
        compiler_params=pltpu.CompilerParams(use_tc_tiling_on_sc=False),
    )
    def k(tab, idx_hbm, out_hbm, idx_v, rows_v, sem):
        wid = lax.axis_index("s") * _NC + lax.axis_index("c")
        pltpu.sync_copy(idx_hbm.at[wid], idx_v)
        copies = [pltpu.async_copy(tab.at[idx_v.at[j]], rows_v.at[j], sem)
                  for j in range(NCHUNK)]
        for c in copies:
            c.wait()
        pltpu.sync_copy(rows_v, out_hbm.at[wid])

    return k(table, idx_all).reshape(B, D)


def _tower_body(uid_ref, iid_ref, brand_ref,
                a_idx, g_idx, c_idx, k_idx, text_ref,
                ta_ref, tg_ref, tc_ref, tk_ref,
                tpW_ref, tpb_ref,
                uW1_ref, ub1_ref, uW2_ref, ub2_ref, uW3_ref, ub3_ref,
                iW1_ref, ib1_ref, iW2_ref, ib2_ref, iW3_ref, ib3_ref,
                u_out, i_out):
    f32 = jnp.float32
    bt = u_out.shape[0]

    def onehot_rows(idx_ref, tab_ref, vocab):
        idx = idx_ref[0, 0, :]
        oh = (idx[:, None] == lax.broadcasted_iota(jnp.int32, (bt, vocab), 1))
        return jnp.dot(oh.astype(f32), tab_ref[...], preferred_element_type=f32)

    def mlp_from_blocks(blocks, W1, b1, W2, b2, W3, b3):
        acc = b1
        for f, blk in enumerate(blocks):
            acc = acc + jnp.dot(blk, W1[64 * f:64 * (f + 1), :],
                                preferred_element_type=f32)
        h = jnp.maximum(acc, 0.0)
        h = jnp.maximum(jnp.dot(h, W2, preferred_element_type=f32) + b2, 0.0)
        return jnp.dot(h, W3, preferred_element_type=f32) + b3

    def l2norm(x):
        n = jnp.sqrt(jnp.sum(x * x, axis=1, keepdims=True))
        return x / jnp.maximum(n, 1e-12)

    u_blocks = [
        uid_ref[...].astype(f32),
        onehot_rows(a_idx, ta_ref, SMALL_VOCABS[0]),
        onehot_rows(g_idx, tg_ref, SMALL_VOCABS[1]),
        onehot_rows(c_idx, tc_ref, SMALL_VOCABS[2]),
    ]
    u = mlp_from_blocks(u_blocks, uW1_ref[...], ub1_ref[...],
                        uW2_ref[...], ub2_ref[...], uW3_ref[...], ub3_ref[...])
    u_out[...] = l2norm(u)

    tp = jnp.dot(text_ref[...], tpW_ref[...],
                 preferred_element_type=f32) + tpb_ref[...]
    i_blocks = [
        iid_ref[...].astype(f32),
        onehot_rows(k_idx, tk_ref, SMALL_VOCABS[3]),
        brand_ref[...],
        tp,
    ]
    it = mlp_from_blocks(i_blocks, iW1_ref[...], ib1_ref[...],
                         iW2_ref[...], ib2_ref[...], iW3_ref[...], ib3_ref[...])
    i_out[...] = l2norm(it)


def _towers_tc(uid_rows, iid_rows, brand_rows,
               a_idx, g_idx, c_idx, k_idx, text,
               ta, tg, tc, tk, tpW, tpb,
               uW1, ub1, uW2, ub2, uW3, ub3,
               iW1, ib1, iW2, ib2, iW3, ib3, bt=2048):
    grid = (B // bt,)
    full = lambda shape: pl.BlockSpec(shape, lambda i: (0,) * len(shape))
    row_spec = pl.BlockSpec((bt, D), lambda i: (i, 0))
    idx_spec = pl.BlockSpec((1, 1, bt), lambda i: (i, 0, 0))
    in_specs = [
        row_spec, row_spec, row_spec,
        idx_spec, idx_spec, idx_spec, idx_spec,
        pl.BlockSpec((bt, 768), lambda i: (i, 0)),
        full((SMALL_VOCABS[0], D)), full((SMALL_VOCABS[1], D)),
        full((SMALL_VOCABS[2], D)), full((SMALL_VOCABS[3], D)),
        full((768, D)), full((1, D)),
        full((256, 256)), full((1, 256)),
        full((256, 128)), full((1, 128)),
        full((128, D)), full((1, D)),
        full((256, 256)), full((1, 256)),
        full((256, 128)), full((1, 128)),
        full((128, D)), full((1, D)),
    ]
    out_specs = (row_spec, row_spec)
    return pl.pallas_call(
        _tower_body,
        grid=grid,
        in_specs=in_specs,
        out_specs=out_specs,
        out_shape=(jax.ShapeDtypeStruct((B, D), jnp.float32),
                   jax.ShapeDtypeStruct((B, D), jnp.float32)),
        compiler_params=pltpu.CompilerParams(
            dimension_semantics=("arbitrary",)),
    )(uid_rows, iid_rows, brand_rows, a_idx, g_idx, c_idx, k_idx, text,
      ta, tg, tc, tk, tpW, tpb,
      uW1, ub1, uW2, ub2, uW3, ub3, iW1, ib1, iW2, ib2, iW3, ib3)


def kernel(user_user_id, user_age_bucket, user_gender, user_country,
           item_item_id, item_category, item_brand, text_features,
           emb_user_user_id, emb_user_age_bucket, emb_user_gender,
           emb_user_country, emb_item_item_id, emb_item_category,
           emb_item_brand, text_proj_W, text_proj_b,
           uW1, ub1, uW2, ub2, uW3, ub3, iW1, ib1, iW2, ib2, iW3, ib3):
    uid_rows = jnp.take(emb_user_user_id, user_user_id, axis=0, mode="clip")
    iid_rows = jnp.take(emb_item_item_id, item_item_id, axis=0, mode="clip")

    brand_rows = _sc_gather_brand(
        emb_item_brand,
        item_brand.astype(jnp.int32).reshape(NW, NCHUNK, CHUNK))

    small_idx = [ix.astype(jnp.int32).reshape(B // 2048, 1, 2048)
                 for ix in (user_age_bucket, user_gender, user_country,
                            item_category)]
    u, it = _towers_tc(
        uid_rows, iid_rows, brand_rows, *small_idx, text_features,
        emb_user_age_bucket, emb_user_gender, emb_user_country,
        emb_item_category,
        text_proj_W, text_proj_b.reshape(1, D),
        uW1, ub1.reshape(1, 256), uW2, ub2.reshape(1, 128),
        uW3, ub3.reshape(1, D),
        iW1, ib1.reshape(1, 256), iW2, ib2.reshape(1, 128),
        iW3, ib3.reshape(1, D))
    return (u, it)

# --- scband reference (transcript-rebuilt; emitter-appended) ---
"""Pipeline reference for scband-two-tower-model-65712999629113 (READ-ONLY COPY).

The authoritative reference and input builder live on the scoring server;
editing this copy changes nothing except your own understanding.
"""

import jax, jax.numpy as jnp
import numpy as np

B = 16384
D = 64
USER_VOCABS = {'user_id': 1000000, 'age_bucket': 100, 'gender': 4, 'country': 256}
ITEM_VOCABS = {'item_id': 1000000, 'category': 1000, 'brand': 100000}


def setup_inputs(seed: int = 0):
    key = jax.random.key(seed)
    ks = jax.random.split(key, 40)
    inp = {}
    i = 0
    for name, v in USER_VOCABS.items():
        inp['user_' + name] = jax.random.randint(ks[i], (B,), 0, v)
        i += 1
    for name, v in ITEM_VOCABS.items():
        inp['item_' + name] = jax.random.randint(ks[i], (B,), 0, v)
        i += 1
    inp['text_features'] = jax.random.normal(ks[i], (B, 768), dtype=jnp.float32); i += 1
    for name, v in USER_VOCABS.items():
        inp['emb_user_' + name] = jax.random.normal(ks[i], (v, D), dtype=jnp.float32) * 0.02
        i += 1
    for name, v in ITEM_VOCABS.items():
        inp['emb_item_' + name] = jax.random.normal(ks[i], (v, D), dtype=jnp.float32) * 0.02
        i += 1
    inp['text_proj_W'] = jax.random.normal(ks[i], (768, D), dtype=jnp.float32) * 0.02; i += 1
    inp['text_proj_b'] = jnp.zeros((D,), dtype=jnp.float32)
    # user tower MLP: input = 4*64 = 256, hidden [256, 128], out 64
    inp['uW1'] = jax.random.normal(ks[i], (256, 256), dtype=jnp.float32) * 0.05; i += 1
    inp['ub1'] = jnp.zeros((256,), dtype=jnp.float32)
    inp['uW2'] = jax.random.normal(ks[i], (256, 128), dtype=jnp.float32) * 0.05; i += 1
    inp['ub2'] = jnp.zeros((128,), dtype=jnp.float32)
    inp['uW3'] = jax.random.normal(ks[i], (128, D), dtype=jnp.float32) * 0.05; i += 1
    inp['ub3'] = jnp.zeros((D,), dtype=jnp.float32)
    # item tower MLP: input = (3+1)*64 = 256, hidden [256, 128], out 64
    inp['iW1'] = jax.random.normal(ks[i], (256, 256), dtype=jnp.float32) * 0.05; i += 1
    inp['ib1'] = jnp.zeros((256,), dtype=jnp.float32)
    inp['iW2'] = jax.random.normal(ks[i], (256, 128), dtype=jnp.float32) * 0.05; i += 1
    inp['ib2'] = jnp.zeros((128,), dtype=jnp.float32)
    inp['iW3'] = jax.random.normal(ks[i], (128, D), dtype=jnp.float32) * 0.05; i += 1
    inp['ib3'] = jnp.zeros((D,), dtype=jnp.float32)
    return inp


def _mlp(x, W1, b1, W2, b2, W3, b3):
    h = jax.nn.relu(x @ W1 + b1)
    h = jax.nn.relu(h @ W2 + b2)
    return h @ W3 + b3


def _l2norm(x):
    n = jnp.linalg.norm(x, axis=1, keepdims=True)
    return x / jnp.maximum(n, 1e-12)


def reference(user_user_id, user_age_bucket, user_gender, user_country,
              item_item_id, item_category, item_brand, text_features,
              emb_user_user_id, emb_user_age_bucket, emb_user_gender, emb_user_country,
              emb_item_item_id, emb_item_category, emb_item_brand,
              text_proj_W, text_proj_b,
              uW1, ub1, uW2, ub2, uW3, ub3,
              iW1, ib1, iW2, ib2, iW3, ib3):
    # User tower: clamp indices, gather, concat, MLP, L2-normalize
    u_embs = [
        jnp.take(emb_user_user_id, jnp.clip(user_user_id, 0, USER_VOCABS['user_id'] - 1), axis=0),
        jnp.take(emb_user_age_bucket, jnp.clip(user_age_bucket, 0, USER_VOCABS['age_bucket'] - 1), axis=0),
        jnp.take(emb_user_gender, jnp.clip(user_gender, 0, USER_VOCABS['gender'] - 1), axis=0),
        jnp.take(emb_user_country, jnp.clip(user_country, 0, USER_VOCABS['country'] - 1), axis=0),
    ]
    user_x = jnp.concatenate(u_embs, axis=-1)
    user_embedding = _l2norm(_mlp(user_x, uW1, ub1, uW2, ub2, uW3, ub3))
    # Item tower: gathers + text projection, concat, MLP, L2-normalize
    i_embs = [
        jnp.take(emb_item_item_id, jnp.clip(item_item_id, 0, ITEM_VOCABS['item_id'] - 1), axis=0),
        jnp.take(emb_item_category, jnp.clip(item_category, 0, ITEM_VOCABS['category'] - 1), axis=0),
        jnp.take(emb_item_brand, jnp.clip(item_brand, 0, ITEM_VOCABS['brand'] - 1), axis=0),
        text_features @ text_proj_W + text_proj_b,
    ]
    item_x = jnp.concatenate(i_embs, axis=-1)
    item_embedding = _l2norm(_mlp(item_x, iW1, ib1, iW2, ib2, iW3, ib3))
    return (user_embedding, item_embedding)

if __name__ == "__main__":
    import jax
    _d = setup_inputs()
    print(jax.jit(kernel)(*tuple(_d.values())))

</pallas_src>

<mosaic_0001>
#map = affine_map<(d0, d1) -> (0, 0)>
#map1 = affine_map<(d0, d1) -> (0, 0, 0)>
#map2 = affine_map<(d0, d1) -> (0, 0, 0, 0)>
module attributes {stable_mosaic.version = 14 : i64} {
  func.func @k(%arg0: i32, %arg1: i32, %arg2: memref<100000x64xf32, #tpu.memory_space<hbm>>, %arg3: memref<32x4x128xi32, #tpu.memory_space<hbm>>, %arg4: memref<32x4x128x64xf32, #tpu.memory_space<hbm>>, %arg5: memref<4x128xi32, #tpu.memory_space<vmem>>, %arg6: memref<4x128x64xf32, #tpu.memory_space<vmem>>, %arg7: memref<!tpu.dma_semaphore, #tpu.memory_space<semaphore_mem>>) attributes {dimension_semantics = [#tpu.dimension_semantics<core_parallel>, #tpu.dimension_semantics<subcore_parallel>], iteration_bounds = array<i64: 2, 16>, scalar_prefetch = 0 : i64, scratch_operands = 3 : i64, tpu.core_type = #tpu.core_type<sc_vector_subcore>, window_params = [{transform_indices = #map}, {transform_indices = #map1}, {transform_indices = #map2}]} {
    %mul3A = arith.constant 2 : i32
    %mul3A_0 = arith.muli %arg1, %mul3A : i32
    %add3A = arith.addi %mul3A_0, %arg0 : i32
    "tpu.region"() ({
      %run_scoped3A = tpu.sem_alloc : memref<!tpu.dma_semaphore, #tpu.memory_space<semaphore_mem>>
      %dma_start3A_95 = arith.constant 0 : i32
      %dma_start3A_96 = arith.constant 0 : i32
      %dma_start3A_97 = tpu.memref_slice %arg3[%add3A, %dma_start3A_95, %dma_start3A_96] : memref<32x4x128xi32, #tpu.memory_space<hbm>> -> memref<1x4x128xi32, #tpu.memory_space<hbm>>
      %dma_start3A_98 = tpu.memref_squeeze %dma_start3A_97 : memref<1x4x128xi32, #tpu.memory_space<hbm>> -> memref<4x128xi32, #tpu.memory_space<hbm>>
      %dma_start3A_99 = arith.constant 0 : i32
      %dma_start3A_100 = arith.constant 0 : i32
      %dma_start3A_101 = tpu.memref_slice %arg3[%add3A, %dma_start3A_99, %dma_start3A_100] : memref<32x4x128xi32, #tpu.memory_space<hbm>> -> memref<1x4x128xi32, #tpu.memory_space<hbm>>
      %dma_start3A_102 = tpu.memref_squeeze %dma_start3A_101 : memref<1x4x128xi32, #tpu.memory_space<hbm>> -> memref<4x128xi32, #tpu.memory_space<hbm>>
      tpu.enqueue_dma source(%dma_start3A_102 : memref<4x128xi32, #tpu.memory_space<hbm>>) target(%arg5 : memref<4x128xi32, #tpu.memory_space<vmem>>) target_semaphore(%run_scoped3A : memref<!tpu.dma_semaphore, #tpu.memory_space<semaphore_mem>>)
      %dma_wait3A_103 = arith.constant 0 : i32
      %dma_wait3A_104 = arith.constant 0 : i32
      %dma_wait3A_105 = tpu.memref_slice %arg3[%add3A, %dma_wait3A_103, %dma_wait3A_104] : memref<32x4x128xi32, #tpu.memory_space<hbm>> -> memref<1x4x128xi32, #tpu.memory_space<hbm>>
      %dma_wait3A_106 = tpu.memref_squeeze %dma_wait3A_105 : memref<1x4x128xi32, #tpu.memory_space<hbm>> -> memref<4x128xi32, #tpu.memory_space<hbm>>
      %dma_wait3A_107 = arith.constant 0 : i32
      %dma_wait3A_108 = arith.constant 0 : i32
      %dma_wait3A_109 = tpu.memref_slice %arg3[%add3A, %dma_wait3A_107, %dma_wait3A_108] : memref<32x4x128xi32, #tpu.memory_space<hbm>> -> memref<1x4x128xi32, #tpu.memory_space<hbm>>
      %dma_wait3A_110 = tpu.memref_squeeze %dma_wait3A_109 : memref<1x4x128xi32, #tpu.memory_space<hbm>> -> memref<4x128xi32, #tpu.memory_space<hbm>>
      tpu.wait_dma2 semaphore(%run_scoped3A : memref<!tpu.dma_semaphore, #tpu.memory_space<semaphore_mem>>) src(%dma_wait3A_110 : memref<4x128xi32, #tpu.memory_space<hbm>>) dst(%arg5 : memref<4x128xi32, #tpu.memory_space<vmem>>)
      tpu.yield
    }) : () -> ()
    %dma_start3A = arith.constant 0 : i32
    %dma_start3A_1 = arith.constant 0 : i32
    %dma_start3A_2 = arith.constant 0 : i32
    %dma_start3A_3 = arith.constant 0 : i32
    %dma_start3A_4 = tpu.memref_slice %arg6[%dma_start3A_1, %dma_start3A_2, %dma_start3A_3] : memref<4x128x64xf32, #tpu.memory_space<vmem>> -> memref<1x128x64xf32, #tpu.memory_space<vmem>>
    %dma_start3A_5 = tpu.memref_squeeze %dma_start3A_4 : memref<1x128x64xf32, #tpu.memory_space<vmem>> -> memref<128x64xf32, #tpu.memory_space<vmem>>
    %dma_start3A_6 = arith.constant 0 : i32
    %dma_start3A_7 = tpu.memref_slice %arg5[%dma_start3A, %dma_start3A_6] : memref<4x128xi32, #tpu.memory_space<vmem>> -> memref<1x128xi32, #tpu.memory_space<vmem>>
    %dma_start3A_8 = tpu.memref_squeeze %dma_start3A_7 : memref<1x128xi32, #tpu.memory_space<vmem>> -> memref<128xi32, #tpu.memory_space<vmem>>
    %dma_start3A_9 = arith.constant 0 : i32
    %dma_start3A_10 = arith.constant 0 : i32
    %dma_start3A_11 = tpu.memref_slice %arg2[%dma_start3A_9, %dma_start3A_10] : memref<100000x64xf32, #tpu.memory_space<hbm>> -> memref<100000x64xf32, #tpu.memory_space<hbm>>
    tpu.enqueue_indirect_dma source(%dma_start3A_11 : memref<100000x64xf32, #tpu.memory_space<hbm>>) target(%dma_start3A_5 : memref<128x64xf32, #tpu.memory_space<vmem>>) offsets(%dma_start3A_8 : memref<128xi32, #tpu.memory_space<vmem>>) semaphore(%arg7 : memref<!tpu.dma_semaphore, #tpu.memory_space<semaphore_mem>>)
    %dma_start3A_12 = arith.constant 1 : i32
    %dma_start3A_13 = arith.constant 1 : i32
    %dma_start3A_14 = arith.constant 0 : i32
    %dma_start3A_15 = arith.constant 0 : i32
    %dma_start3A_16 = tpu.memref_slice %arg6[%dma_start3A_13, %dma_start3A_14, %dma_start3A_15] : memref<4x128x64xf32, #tpu.memory_space<vmem>> -> memref<1x128x64xf32, #tpu.memory_space<vmem>>
    %dma_start3A_17 = tpu.memref_squeeze %dma_start3A_16 : memref<1x128x64xf32, #tpu.memory_space<vmem>> -> memref<128x64xf32, #tpu.memory_space<vmem>>
    %dma_start3A_18 = arith.constant 0 : i32
    %dma_start3A_19 = tpu.memref_slice %arg5[%dma_start3A_12, %dma_start3A_18] : memref<4x128xi32, #tpu.memory_space<vmem>> -> memref<1x128xi32, #tpu.memory_space<vmem>>
    %dma_start3A_20 = tpu.memref_squeeze %dma_start3A_19 : memref<1x128xi32, #tpu.memory_space<vmem>> -> memref<128xi32, #tpu.memory_space<vmem>>
    %dma_start3A_21 = arith.constant 0 : i32
    %dma_start3A_22 = arith.constant 0 : i32
    %dma_start3A_23 = tpu.memref_slice %arg2[%dma_start3A_21, %dma_start3A_22] : memref<100000x64xf32, #tpu.memory_space<hbm>> -> memref<100000x64xf32, #tpu.memory_space<hbm>>
    tpu.enqueue_indirect_dma source(%dma_start3A_23 : memref<100000x64xf32, #tpu.memory_space<hbm>>) target(%dma_start3A_17 : memref<128x64xf32, #tpu.memory_space<vmem>>) offsets(%dma_start3A_20 : memref<128xi32, #tpu.memory_space<vmem>>) semaphore(%arg7 : memref<!tpu.dma_semaphore, #tpu.memory_space<semaphore_mem>>)
    %dma_start3A_24 = arith.constant 2 : i32
    %dma_start3A_25 = arith.constant 2 : i32
    %dma_start3A_26 = arith.constant 0 : i32
    %dma_start3A_27 = arith.constant 0 : i32
    %dma_start3A_28 = tpu.memref_slice %arg6[%dma_start3A_25, %dma_start3A_26, %dma_start3A_27] : memref<4x128x64xf32, #tpu.memory_space<vmem>> -> memref<1x128x64xf32, #tpu.memory_space<vmem>>
    %dma_start3A_29 = tpu.memref_squeeze %dma_start3A_28 : memref<1x128x64xf32, #tpu.memory_space<vmem>> -> memref<128x64xf32, #tpu.memory_space<vmem>>
    %dma_start3A_30 = arith.constant 0 : i32
    %dma_start3A_31 = tpu.memref_slice %arg5[%dma_start3A_24, %dma_start3A_30] : memref<4x128xi32, #tpu.memory_space<vmem>> -> memref<1x128xi32, #tpu.memory_space<vmem>>
    %dma_start3A_32 = tpu.memref_squeeze %dma_start3A_31 : memref<1x128xi32, #tpu.memory_space<vmem>> -> memref<128xi32, #tpu.memory_space<vmem>>
    %dma_start3A_33 = arith.constant 0 : i32
    %dma_start3A_34 = arith.constant 0 : i32
    %dma_start3A_35 = tpu.memref_slice %arg2[%dma_start3A_33, %dma_start3A_34] : memref<100000x64xf32, #tpu.memory_space<hbm>> -> memref<100000x64xf32, #tpu.memory_space<hbm>>
    tpu.enqueue_indirect_dma source(%dma_start3A_35 : memref<100000x64xf32, #tpu.memory_space<hbm>>) target(%dma_start3A_29 : memref<128x64xf32, #tpu.memory_space<vmem>>) offsets(%dma_start3A_32 : memref<128xi32, #tpu.memory_space<vmem>>) semaphore(%arg7 : memref<!tpu.dma_semaphore, #tpu.memory_space<semaphore_mem>>)
    %dma_start3A_36 = arith.constant 3 : i32
    %dma_start3A_37 = arith.constant 3 : i32
    %dma_start3A_38 = arith.constant 0 : i32
    %dma_start3A_39 = arith.constant 0 : i32
    %dma_start3A_40 = tpu.memref_slice %arg6[%dma_start3A_37, %dma_start3A_38, %dma_start3A_39] : memref<4x128x64xf32, #tpu.memory_space<vmem>> -> memref<1x128x64xf32, #tpu.memory_space<vmem>>
    %dma_start3A_41 = tpu.memref_squeeze %dma_start3A_40 : memref<1x128x64xf32, #tpu.memory_space<vmem>> -> memref<128x64xf32, #tpu.memory_space<vmem>>
    %dma_start3A_42 = arith.constant 0 : i32
    %dma_start3A_43 = tpu.memref_slice %arg5[%dma_start3A_36, %dma_start3A_42] : memref<4x128xi32, #tpu.memory_space<vmem>> -> memref<1x128xi32, #tpu.memory_space<vmem>>
    %dma_start3A_44 = tpu.memref_squeeze %dma_start3A_43 : memref<1x128xi32, #tpu.memory_space<vmem>> -> memref<128xi32, #tpu.memory_space<vmem>>
    %dma_start3A_45 = arith.constant 0 : i32
    %dma_start3A_46 = arith.constant 0 : i32
    %dma_start3A_47 = tpu.memref_slice %arg2[%dma_start3A_45, %dma_start3A_46] : memref<100000x64xf32, #tpu.memory_space<hbm>> -> memref<100000x64xf32, #tpu.memory_space<hbm>>
    tpu.enqueue_indirect_dma source(%dma_start3A_47 : memref<100000x64xf32, #tpu.memory_space<hbm>>) target(%dma_start3A_41 : memref<128x64xf32, #tpu.memory_space<vmem>>) offsets(%dma_start3A_44 : memref<128xi32, #tpu.memory_space<vmem>>) semaphore(%arg7 : memref<!tpu.dma_semaphore, #tpu.memory_space<semaphore_mem>>)
    %dma_wait3A = arith.constant 0 : i32
    %dma_wait3A_48 = arith.constant 0 : i32
    %dma_wait3A_49 = arith.constant 0 : i32
    %dma_wait3A_50 = arith.constant 0 : i32
    %dma_wait3A_51 = tpu.memref_slice %arg6[%dma_wait3A_48, %dma_wait3A_49, %dma_wait3A_50] : memref<4x128x64xf32, #tpu.memory_space<vmem>> -> memref<1x128x64xf32, #tpu.memory_space<vmem>>
    %dma_wait3A_52 = tpu.memref_squeeze %dma_wait3A_51 : memref<1x128x64xf32, #tpu.memory_space<vmem>> -> memref<128x64xf32, #tpu.memory_space<vmem>>
    %dma_wait3A_53 = arith.constant 0 : i32
    %dma_wait3A_54 = tpu.memref_slice %arg5[%dma_wait3A, %dma_wait3A_53] : memref<4x128xi32, #tpu.memory_space<vmem>> -> memref<1x128xi32, #tpu.memory_space<vmem>>
    %dma_wait3A_55 = tpu.memref_squeeze %dma_wait3A_54 : memref<1x128xi32, #tpu.memory_space<vmem>> -> memref<128xi32, #tpu.memory_space<vmem>>
    %dma_wait3A_56 = arith.constant 0 : i32
    %dma_wait3A_57 = arith.constant 0 : i32
    %dma_wait3A_58 = tpu.memref_slice %arg2[%dma_wait3A_56, %dma_wait3A_57] : memref<100000x64xf32, #tpu.memory_space<hbm>> -> memref<100000x64xf32, #tpu.memory_space<hbm>>
    tpu.wait_indirect_dma semaphore(%arg7 : memref<!tpu.dma_semaphore, #tpu.memory_space<semaphore_mem>>) src(%dma_wait3A_58 : memref<100000x64xf32, #tpu.memory_space<hbm>>) dst(%dma_wait3A_52 : memref<128x64xf32, #tpu.memory_space<vmem>>)
    %dma_wait3A_59 = arith.constant 1 : i32
    %dma_wait3A_60 = arith.constant 1 : i32
    %dma_wait3A_61 = arith.constant 0 : i32
    %dma_wait3A_62 = arith.constant 0 : i32
    %dma_wait3A_63 = tpu.memref_slice %arg6[%dma_wait3A_60, %dma_wait3A_61, %dma_wait3A_62] : memref<4x128x64xf32, #tpu.memory_space<vmem>> -> memref<1x128x64xf32, #tpu.memory_space<vmem>>
    %dma_wait3A_64 = tpu.memref_squeeze %dma_wait3A_63 : memref<1x128x64xf32, #tpu.memory_space<vmem>> -> memref<128x64xf32, #tpu.memory_space<vmem>>
    %dma_wait3A_65 = arith.constant 0 : i32
    %dma_wait3A_66 = tpu.memref_slice %arg5[%dma_wait3A_59, %dma_wait3A_65] : memref<4x128xi32, #tpu.memory_space<vmem>> -> memref<1x128xi32, #tpu.memory_space<vmem>>
    %dma_wait3A_67 = tpu.memref_squeeze %dma_wait3A_66 : memref<1x128xi32, #tpu.memory_space<vmem>> -> memref<128xi32, #tpu.memory_space<vmem>>
    %dma_wait3A_68 = arith.constant 0 : i32
    %dma_wait3A_69 = arith.constant 0 : i32
    %dma_wait3A_70 = tpu.memref_slice %arg2[%dma_wait3A_68, %dma_wait3A_69] : memref<100000x64xf32, #tpu.memory_space<hbm>> -> memref<100000x64xf32, #tpu.memory_space<hbm>>
    tpu.wait_indirect_dma semaphore(%arg7 : memref<!tpu.dma_semaphore, #tpu.memory_space<semaphore_mem>>) src(%dma_wait3A_70 : memref<100000x64xf32, #tpu.memory_space<hbm>>) dst(%dma_wait3A_64 : memref<128x64xf32, #tpu.memory_space<vmem>>)
    %dma_wait3A_71 = arith.constant 2 : i32
    %dma_wait3A_72 = arith.constant 2 : i32
    %dma_wait3A_73 = arith.constant 0 : i32
    %dma_wait3A_74 = arith.constant 0 : i32
    %dma_wait3A_75 = tpu.memref_slice %arg6[%dma_wait3A_72, %dma_wait3A_73, %dma_wait3A_74] : memref<4x128x64xf32, #tpu.memory_space<vmem>> -> memref<1x128x64xf32, #tpu.memory_space<vmem>>
    %dma_wait3A_76 = tpu.memref_squeeze %dma_wait3A_75 : memref<1x128x64xf32, #tpu.memory_space<vmem>> -> memref<128x64xf32, #tpu.memory_space<vmem>>
    %dma_wait3A_77 = arith.constant 0 : i32
    %dma_wait3A_78 = tpu.memref_slice %arg5[%dma_wait3A_71, %dma_wait3A_77] : memref<4x128xi32, #tpu.memory_space<vmem>> -> memref<1x128xi32, #tpu.memory_space<vmem>>
    %dma_wait3A_79 = tpu.memref_squeeze %dma_wait3A_78 : memref<1x128xi32, #tpu.memory_space<vmem>> -> memref<128xi32, #tpu.memory_space<vmem>>
    %dma_wait3A_80 = arith.constant 0 : i32
    %dma_wait3A_81 = arith.constant 0 : i32
    %dma_wait3A_82 = tpu.memref_slice %arg2[%dma_wait3A_80, %dma_wait3A_81] : memref<100000x64xf32, #tpu.memory_space<hbm>> -> memref<100000x64xf32, #tpu.memory_space<hbm>>
    tpu.wait_indirect_dma semaphore(%arg7 : memref<!tpu.dma_semaphore, #tpu.memory_space<semaphore_mem>>) src(%dma_wait3A_82 : memref<100000x64xf32, #tpu.memory_space<hbm>>) dst(%dma_wait3A_76 : memref<128x64xf32, #tpu.memory_space<vmem>>)
    %dma_wait3A_83 = arith.constant 3 : i32
    %dma_wait3A_84 = arith.constant 3 : i32
    %dma_wait3A_85 = arith.constant 0 : i32
    %dma_wait3A_86 = arith.constant 0 : i32
    %dma_wait3A_87 = tpu.memref_slice %arg6[%dma_wait3A_84, %dma_wait3A_85, %dma_wait3A_86] : memref<4x128x64xf32, #tpu.memory_space<vmem>> -> memref<1x128x64xf32, #tpu.memory_space<vmem>>
    %dma_wait3A_88 = tpu.memref_squeeze %dma_wait3A_87 : memref<1x128x64xf32, #tpu.memory_space<vmem>> -> memref<128x64xf32, #tpu.memory_space<vmem>>
    %dma_wait3A_89 = arith.constant 0 : i32
    %dma_wait3A_90 = tpu.memref_slice %arg5[%dma_wait3A_83, %dma_wait3A_89] : memref<4x128xi32, #tpu.memory_space<vmem>> -> memref<1x128xi32, #tpu.memory_space<vmem>>
    %dma_wait3A_91 = tpu.memref_squeeze %dma_wait3A_90 : memref<1x128xi32, #tpu.memory_space<vmem>> -> memref<128xi32, #tpu.memory_space<vmem>>
    %dma_wait3A_92 = arith.constant 0 : i32
    %dma_wait3A_93 = arith.constant 0 : i32
    %dma_wait3A_94 = tpu.memref_slice %arg2[%dma_wait3A_92, %dma_wait3A_93] : memref<100000x64xf32, #tpu.memory_space<hbm>> -> memref<100000x64xf32, #tpu.memory_space<hbm>>
    tpu.wait_indirect_dma semaphore(%arg7 : memref<!tpu.dma_semaphore, #tpu.memory_space<semaphore_mem>>) src(%dma_wait3A_94 : memref<100000x64xf32, #tpu.memory_space<hbm>>) dst(%dma_wait3A_88 : memref<128x64xf32, #tpu.memory_space<vmem>>)
    "tpu.region"() ({
      %run_scoped3A = tpu.sem_alloc : memref<!tpu.dma_semaphore, #tpu.memory_space<semaphore_mem>>
      %dma_start3A_95 = arith.constant 0 : i32
      %dma_start3A_96 = arith.constant 0 : i32
      %dma_start3A_97 = arith.constant 0 : i32
      %dma_start3A_98 = tpu.memref_slice %arg4[%add3A, %dma_start3A_95, %dma_start3A_96, %dma_start3A_97] : memref<32x4x128x64xf32, #tpu.memory_space<hbm>> -> memref<1x4x128x64xf32, #tpu.memory_space<hbm>>
      %dma_start3A_99 = tpu.memref_squeeze %dma_start3A_98 : memref<1x4x128x64xf32, #tpu.memory_space<hbm>> -> memref<4x128x64xf32, #tpu.memory_space<hbm>>
      %dma_start3A_100 = arith.constant 0 : i32
      %dma_start3A_101 = arith.constant 0 : i32
      %dma_start3A_102 = arith.constant 0 : i32
      %dma_start3A_103 = tpu.memref_slice %arg4[%add3A, %dma_start3A_100, %dma_start3A_101, %dma_start3A_102] : memref<32x4x128x64xf32, #tpu.memory_space<hbm>> -> memref<1x4x128x64xf32, #tpu.memory_space<hbm>>
      %dma_start3A_104 = tpu.memref_squeeze %dma_start3A_103 : memref<1x4x128x64xf32, #tpu.memory_space<hbm>> -> memref<4x128x64xf32, #tpu.memory_space<hbm>>
      tpu.enqueue_dma source(%arg6 : memref<4x128x64xf32, #tpu.memory_space<vmem>>) target(%dma_start3A_104 : memref<4x128x64xf32, #tpu.memory_space<hbm>>) target_semaphore(%run_scoped3A : memref<!tpu.dma_semaphore, #tpu.memory_space<semaphore_mem>>)
      %dma_wait3A_105 = arith.constant 0 : i32
      %dma_wait3A_106 = arith.constant 0 : i32
      %dma_wait3A_107 = arith.constant 0 : i32
      %dma_wait3A_108 = tpu.memref_slice %arg4[%add3A, %dma_wait3A_105, %dma_wait3A_106, %dma_wait3A_107] : memref<32x4x128x64xf32, #tpu.memory_space<hbm>> -> memref<1x4x128x64xf32, #tpu.memory_space<hbm>>
      %dma_wait3A_109 = tpu.memref_squeeze %dma_wait3A_108 : memref<1x4x128x64xf32, #tpu.memory_space<hbm>> -> memref<4x128x64xf32, #tpu.memory_space<hbm>>
      %dma_wait3A_110 = arith.constant 0 : i32
      %dma_wait3A_111 = arith.constant 0 : i32
      %dma_wait3A_112 = arith.constant 0 : i32
      %dma_wait3A_113 = tpu.memref_slice %arg4[%add3A, %dma_wait3A_110, %dma_wait3A_111, %dma_wait3A_112] : memref<32x4x128x64xf32, #tpu.memory_space<hbm>> -> memref<1x4x128x64xf32, #tpu.memory_space<hbm>>
      %dma_wait3A_114 = tpu.memref_squeeze %dma_wait3A_113 : memref<1x4x128x64xf32, #tpu.memory_space<hbm>> -> memref<4x128x64xf32, #tpu.memory_space<hbm>>
      tpu.wait_dma2 semaphore(%run_scoped3A : memref<!tpu.dma_semaphore, #tpu.memory_space<semaphore_mem>>) src(%arg6 : memref<4x128x64xf32, #tpu.memory_space<vmem>>) dst(%dma_wait3A_114 : memref<4x128x64xf32, #tpu.memory_space<hbm>>)
      tpu.yield
    }) : () -> ()
    return
  }
}

module attributes {stable_mosaic.version = 14 : i64} {
  func.func @_tower_body(%arg0: i32, %arg1: memref<2048x64xf32, #tpu.memory_space<vmem>>, %arg2: memref<2048x64xf32, #tpu.memory_space<vmem>>, %arg3: memref<2048x64xf32, #tpu.memory_space<vmem>>, %arg4: memref<1x1x2048xi32, #tpu.memory_space<vmem>>, %arg5: memref<1x1x2048xi32, #tpu.memory_space<vmem>>, %arg6: memref<1x1x2048xi32, #tpu.memory_space<vmem>>, %arg7: memref<1x1x2048xi32, #tpu.memory_space<vmem>>, %arg8: memref<2048x768xf32, #tpu.memory_space<vmem>>, %arg9: memref<100x64xf32, #tpu.memory_space<vmem>>, %arg10: memref<4x64xf32, #tpu.memory_space<vmem>>, %arg11: memref<256x64xf32, #tpu.memory_space<vmem>>, %arg12: memref<1000x64xf32, #tpu.memory_space<vmem>>, %arg13: memref<768x64xf32, #tpu.memory_space<vmem>>, %arg14: memref<1x64xf32, #tpu.memory_space<vmem>>, %arg15: memref<256x256xf32, #tpu.memory_space<vmem>>, %arg16: memref<1x256xf32, #tpu.memory_space<vmem>>, %arg17: memref<256x128xf32, #tpu.memory_space<vmem>>, %arg18: memref<1x128xf32, #tpu.memory_space<vmem>>, %arg19: memref<128x64xf32, #tpu.memory_space<vmem>>, %arg20: memref<1x64xf32, #tpu.memory_space<vmem>>, %arg21: memref<256x256xf32, #tpu.memory_space<vmem>>, %arg22: memref<1x256xf32, #tpu.memory_space<vmem>>, %arg23: memref<256x128xf32, #tpu.memory_space<vmem>>, %arg24: memref<1x128xf32, #tpu.memory_space<vmem>>, %arg25: memref<128x64xf32, #tpu.memory_space<vmem>>, %arg26: memref<1x64xf32, #tpu.memory_space<vmem>>, %arg27: memref<2048x64xf32, #tpu.memory_space<vmem>>, %arg28: memref<2048x64xf32, #tpu.memory_space<vmem>>) attributes {dimension_semantics = [#tpu.dimension_semantics<arbitrary>], iteration_bounds = array<i64: 8>, scalar_prefetch = 0 : i64, scratch_operands = 0 : i64, tpu.core_type = #tpu.core_type<tc>, window_params = [{transform_indices = @transform_0, window_bounds = array<i64: 2048, 64>}, {transform_indices = @transform_1, window_bounds = array<i64: 2048, 64>}, {transform_indices = @transform_2, window_bounds = array<i64: 2048, 64>}, {transform_indices = @transform_3, window_bounds = array<i64: 1, 1, 2048>}, {transform_indices = @transform_4, window_bounds = array<i64: 1, 1, 2048>}, {transform_indices = @transform_5, window_bounds = array<i64: 1, 1, 2048>}, {transform_indices = @transform_6, window_bounds = array<i64: 1, 1, 2048>}, {transform_indices = @transform_7, window_bounds = array<i64: 2048, 768>}, {pipeline_mode = #tpu.pipeline_mode<synchronous>, transform_indices = @transform_8, window_bounds = array<i64: 100, 64>}, {pipeline_mode = #tpu.pipeline_mode<synchronous>, transform_indices = @transform_9, window_bounds = array<i64: 4, 64>}, {pipeline_mode = #tpu.pipeline_mode<synchronous>, transform_indices = @transform_10, window_bounds = array<i64: 256, 64>}, {pipeline_mode = #tpu.pipeline_mode<synchronous>, transform_indices = @transform_11, window_bounds = array<i64: 1000, 64>}, {pipeline_mode = #tpu.pipeline_mode<synchronous>, transform_indices = @transform_12, window_bounds = array<i64: 768, 64>}, {pipeline_mode = #tpu.pipeline_mode<synchronous>, transform_indices = @transform_13, window_bounds = array<i64: 1, 64>}, {pipeline_mode = #tpu.pipeline_mode<synchronous>, transform_indices = @transform_14, window_bounds = array<i64: 256, 256>}, {pipeline_mode = #tpu.pipeline_mode<synchronous>, transform_indices = @transform_15, window_bounds = array<i64: 1, 256>}, {pipeline_mode = #tpu.pipeline_mode<synchronous>, transform_indices = @transform_16, window_bounds = array<i64: 256, 128>}, {pipeline_mode = #tpu.pipeline_mode<synchronous>, transform_indices = @transform_17, window_bounds = array<i64: 1, 128>}, {pipeline_mode = #tpu.pipeline_mode<synchronous>, transform_indices = @transform_18, window_bounds = array<i64: 128, 64>}, {pipeline_mode = #tpu.pipeline_mode<synchronous>, transform_indices = @transform_19, window_bounds = array<i64: 1, 64>}, {pipeline_mode = #tpu.pipeline_mode<synchronous>, transform_indices = @transform_20, window_bounds = array<i64: 256, 256>}, {pipeline_mode = #tpu.pipeline_mode<synchronous>, transform_indices = @transform_21, window_bounds = array<i64: 1, 256>}, {pipeline_mode = #tpu.pipeline_mode<synchronous>, transform_indices = @transform_22, window_bounds = array<i64: 256, 128>}, {pipeline_mode = #tpu.pipeline_mode<synchronous>, transform_indices = @transform_23, window_bounds = array<i64: 1, 128>}, {pipeline_mode = #tpu.pipeline_mode<synchronous>, transform_indices = @transform_24, window_bounds = array<i64: 128, 64>}, {pipeline_mode = #tpu.pipeline_mode<synchronous>, transform_indices = @transform_25, window_bounds = array<i64: 1, 64>}, {transform_indices = @transform_26, window_bounds = array<i64: 2048, 64>}, {transform_indices = @transform_27, window_bounds = array<i64: 2048, 64>}]} {
    %get3A = arith.constant 0 : index
    %get3A_0 = arith.constant 0 : index
    %get3A_1 = vector.load %arg1[%get3A, %get3A_0] : memref<2048x64xf32, #tpu.memory_space<vmem>>, vector<2048x64xf32>
    %get3A_2 = arith.constant 0 : index
    %get3A_3 = arith.constant 0 : index
    %get3A_4 = arith.constant 0 : index
    %get3A_5 = vector.load %arg4[%get3A_2, %get3A_3, %get3A_4] : memref<1x1x2048xi32, #tpu.memory_space<vmem>>, vector<1x1x2048xi32>
    %get3A_6 = vector.shape_cast %get3A_5 : vector<1x1x2048xi32> to vector<2048xi32>
    %broadcast_in_dim3A = vector.shape_cast %get3A_6 : vector<2048xi32> to vector<2048x1xi32>
    %iota3A = tpu.iota {dimensions = array<i32: 1>} : vector<2048x100xi32>
    %eq3A = vector.broadcast %broadcast_in_dim3A : vector<2048x1xi32> to vector<2048x100xi32>
    %eq3A_7 = arith.cmpi eq, %eq3A, %iota3A : vector<2048x100xi32>
    %convert_element_type3A = arith.extui %eq3A_7 : vector<2048x100xi1> to vector<2048x100xi32>
    %convert_element_type3A_8 = arith.sitofp %convert_element_type3A : vector<2048x100xi32> to vector<2048x100xf32>
    %get3A_9 = arith.constant 0 : index
    %get3A_10 = arith.constant 0 : index
    %get3A_11 = vector.load %arg9[%get3A_9, %get3A_10] : memref<100x64xf32, #tpu.memory_space<vmem>>, vector<100x64xf32>
    %dot_general3A = arith.constant dense<0.000000e+00> : vector<2048x64xf32>
    %dot_general3A_12 = tpu.matmul %convert_element_type3A_8, %get3A_11, %dot_general3A {dimension_numbers = #tpu.dot_dimension_numbers<[1], [0], [0], [1], [0, 0, 1, 1], [], []>, transpose_lhs_hint = false} : vector<2048x100xf32>, vector<100x64xf32>, vector<2048x64xf32> -> vector<2048x64xf32>
    %get3A_13 = arith.constant 0 : index
    %get3A_14 = arith.constant 0 : index
    %get3A_15 = arith.constant 0 : index
    %get3A_16 = vector.load %arg5[%get3A_13, %get3A_14, %get3A_15] : memref<1x1x2048xi32, #tpu.memory_space<vmem>>, vector<1x1x2048xi32>
    %get3A_17 = vector.shape_cast %get3A_16 : vector<1x1x2048xi32> to vector<2048xi32>
    %broadcast_in_dim3A_18 = vector.shape_cast %get3A_17 : vector<2048xi32> to vector<2048x1xi32>
    %iota3A_19 = tpu.iota {dimensions = array<i32: 1>} : vector<2048x4xi32>
    %eq3A_20 = vector.broadcast %broadcast_in_dim3A_18 : vector<2048x1xi32> to vector<2048x4xi32>
    %eq3A_21 = arith.cmpi eq, %eq3A_20, %iota3A_19 : vector<2048x4xi32>
    %convert_element_type3A_22 = arith.extui %eq3A_21 : vector<2048x4xi1> to vector<2048x4xi32>
    %convert_element_type3A_23 = arith.sitofp %convert_element_type3A_22 : vector<2048x4xi32> to vector<2048x4xf32>
    %get3A_24 = arith.constant 0 : index
    %get3A_25 = arith.constant 0 : index
    %get3A_26 = vector.load %arg10[%get3A_24, %get3A_25] : memref<4x64xf32, #tpu.memory_space<vmem>>, vector<4x64xf32>
    %dot_general3A_27 = arith.constant dense<0.000000e+00> : vector<2048x64xf32>
    %dot_general3A_28 = tpu.matmul %convert_element_type3A_23, %get3A_26, %dot_general3A_27 {dimension_numbers = #tpu.dot_dimension_numbers<[1], [0], [0], [1], [0, 0, 1, 1], [], []>, transpose_lhs_hint = false} : vector<2048x4xf32>, vector<4x64xf32>, vector<2048x64xf32> -> vector<2048x64xf32>
    %get3A_29 = arith.constant 0 : index
    %get3A_30 = arith.constant 0 : index
    %get3A_31 = arith.constant 0 : index
    %get3A_32 = vector.load %arg6[%get3A_29, %get3A_30, %get3A_31] : memref<1x1x2048xi32, #tpu.memory_space<vmem>>, vector<1x1x2048xi32>
    %get3A_33 = vector.shape_cast %get3A_32 : vector<1x1x2048xi32> to vector<2048xi32>
    %broadcast_in_dim3A_34 = vector.shape_cast %get3A_33 : vector<2048xi32> to vector<2048x1xi32>
    %iota3A_35 = tpu.iota {dimensions = array<i32: 1>} : vector<2048x256xi32>
    %eq3A_36 = vector.broadcast %broadcast_in_dim3A_34 : vector<2048x1xi32> to vector<2048x256xi32>
    %eq3A_37 = arith.cmpi eq, %eq3A_36, %iota3A_35 : vector<2048x256xi32>
    %convert_element_type3A_38 = arith.extui %eq3A_37 : vector<2048x256xi1> to vector<2048x256xi32>
    %convert_element_type3A_39 = arith.sitofp %convert_element_type3A_38 : vector<2048x256xi32> to vector<2048x256xf32>
    %get3A_40 = arith.constant 0 : index
    %get3A_41 = arith.constant 0 : index
    %get3A_42 = vector.load %arg11[%get3A_40, %get3A_41] : memref<256x64xf32, #tpu.memory_space<vmem>>, vector<256x64xf32>
    %dot_general3A_43 = arith.constant dense<0.000000e+00> : vector<2048x64xf32>
    %dot_general3A_44 = tpu.matmul %convert_element_type3A_39, %get3A_42, %dot_general3A_43 {dimension_numbers = #tpu.dot_dimension_numbers<[1], [0], [0], [1], [0, 0, 1, 1], [], []>, transpose_lhs_hint = false} : vector<2048x256xf32>, vector<256x64xf32>, vector<2048x64xf32> -> vector<2048x64xf32>
    %get3A_45 = arith.constant 0 : index
    %get3A_46 = arith.constant 0 : index
    %get3A_47 = vector.load %arg15[%get3A_45, %get3A_46] : memref<256x256xf32, #tpu.memory_space<vmem>>, vector<256x256xf32>
    %get3A_48 = arith.constant 0 : index
    %get3A_49 = arith.constant 0 : index
    %get3A_50 = vector.load %arg16[%get3A_48, %get3A_49] : memref<1x256xf32, #tpu.memory_space<vmem>>, vector<1x256xf32>
    %get3A_51 = arith.constant 0 : index
    %get3A_52 = arith.constant 0 : index
    %get3A_53 = vector.load %arg17[%get3A_51, %get3A_52] : memref<256x128xf32, #tpu.memory_space<vmem>>, vector<256x128xf32>
    %get3A_54 = arith.constant 0 : index
    %get3A_55 = arith.constant 0 : index
    %get3A_56 = vector.load %arg18[%get3A_54, %get3A_55] : memref<1x128xf32, #tpu.memory_space<vmem>>, vector<1x128xf32>
    %get3A_57 = arith.constant 0 : index
    %get3A_58 = arith.constant 0 : index
    %get3A_59 = vector.load %arg19[%get3A_57, %get3A_58] : memref<128x64xf32, #tpu.memory_space<vmem>>, vector<128x64xf32>
    %get3A_60 = arith.constant 0 : index
    %get3A_61 = arith.constant 0 : index
    %get3A_62 = vector.load %arg20[%get3A_60, %get3A_61] : memref<1x64xf32, #tpu.memory_space<vmem>>, vector<1x64xf32>
    %slice3A = vector.extract_strided_slice %get3A_47 {offsets = [0, 0], sizes = [64, 256], strides = [1, 1]} : vector<256x256xf32> to vector<64x256xf32>
    %dot_general3A_63 = arith.constant dense<0.000000e+00> : vector<2048x256xf32>
    %dot_general3A_64 = tpu.matmul %get3A_1, %slice3A, %dot_general3A_63 {dimension_numbers = #tpu.dot_dimension_numbers<[1], [0], [0], [1], [0, 0, 1, 1], [], []>, transpose_lhs_hint = false} : vector<2048x64xf32>, vector<64x256xf32>, vector<2048x256xf32> -> vector<2048x256xf32>
    %add3A = vector.broadcast %get3A_50 : vector<1x256xf32> to vector<2048x256xf32>
    %add3A_65 = arith.addf %add3A, %dot_general3A_64 : vector<2048x256xf32>
    %slice3A_66 = vector.extract_strided_slice %get3A_47 {offsets = [64, 0], sizes = [64, 256], strides = [1, 1]} : vector<256x256xf32> to vector<64x256xf32>
    %dot_general3A_67 = arith.constant dense<0.000000e+00> : vector<2048x256xf32>
    %dot_general3A_68 = tpu.matmul %dot_general3A_12, %slice3A_66, %dot_general3A_67 {dimension_numbers = #tpu.dot_dimension_numbers<[1], [0], [0], [1], [0, 0, 1, 1], [], []>, transpose_lhs_hint = false} : vector<2048x64xf32>, vector<64x256xf32>, vector<2048x256xf32> -> vector<2048x256xf32>
    %add3A_69 = arith.addf %add3A_65, %dot_general3A_68 : vector<2048x256xf32>
    %slice3A_70 = vector.extract_strided_slice %get3A_47 {offsets = [128, 0], sizes = [64, 256], strides = [1, 1]} : vector<256x256xf32> to vector<64x256xf32>
    %dot_general3A_71 = arith.constant dense<0.000000e+00> : vector<2048x256xf32>
    %dot_general3A_72 = tpu.matmul %dot_general3A_28, %slice3A_70, %dot_general3A_71 {dimension_numbers = #tpu.dot_dimension_numbers<[1], [0], [0], [1], [0, 0, 1, 1], [], []>, transpose_lhs_hint = false} : vector<2048x64xf32>, vector<64x256xf32>, vector<2048x256xf32> -> vector<2048x256xf32>
    %add3A_73 = arith.addf %add3A_69, %dot_general3A_72 : vector<2048x256xf32>
    %slice3A_74 = vector.extract_strided_slice %get3A_47 {offsets = [192, 0], sizes = [64, 256], strides = [1, 1]} : vector<256x256xf32> to vector<64x256xf32>
    %dot_general3A_75 = arith.constant dense<0.000000e+00> : vector<2048x256xf32>
    %dot_general3A_76 = tpu.matmul %dot_general3A_44, %slice3A_74, %dot_general3A_75 {dimension_numbers = #tpu.dot_dimension_numbers<[1], [0], [0], [1], [0, 0, 1, 1], [], []>, transpose_lhs_hint = false} : vector<2048x64xf32>, vector<64x256xf32>, vector<2048x256xf32> -> vector<2048x256xf32>
    %add3A_77 = arith.addf %add3A_73, %dot_general3A_76 : vector<2048x256xf32>
    %max3A = arith.constant 0.000000e+00 : f32
    %max3A_78 = vector.broadcast %max3A : f32 to vector<2048x256xf32>
    %max3A_79 = arith.maximumf %add3A_77, %max3A_78 : vector<2048x256xf32>
    %dot_general3A_80 = arith.constant dense<0.000000e+00> : vector<2048x128xf32>
    %dot_general3A_81 = tpu.matmul %max3A_79, %get3A_53, %dot_general3A_80 {dimension_numbers = #tpu.dot_dimension_numbers<[1], [0], [0], [1], [0, 0, 1, 1], [], []>, transpose_lhs_hint = false} : vector<2048x256xf32>, vector<256x128xf32>, vector<2048x128xf32> -> vector<2048x128xf32>
    %add3A_82 = vector.broadcast %get3A_56 : vector<1x128xf32> to vector<2048x128xf32>
    %add3A_83 = arith.addf %dot_general3A_81, %add3A_82 : vector<2048x128xf32>
    %max3A_84 = arith.constant 0.000000e+00 : f32
    %max3A_85 = vector.broadcast %max3A_84 : f32 to vector<2048x128xf32>
    %max3A_86 = arith.maximumf %add3A_83, %max3A_85 : vector<2048x128xf32>
    %dot_general3A_87 = arith.constant dense<0.000000e+00> : vector<2048x64xf32>
    %dot_general3A_88 = tpu.matmul %max3A_86, %get3A_59, %dot_general3A_87 {dimension_numbers = #tpu.dot_dimension_numbers<[1], [0], [0], [1], [0, 0, 1, 1], [], []>, transpose_lhs_hint = false} : vector<2048x128xf32>, vector<128x64xf32>, vector<2048x64xf32> -> vector<2048x64xf32>
    %add3A_89 = vector.broadcast %get3A_62 : vector<1x64xf32> to vector<2048x64xf32>
    %add3A_90 = arith.addf %dot_general3A_88, %add3A_89 : vector<2048x64xf32>
    %mul3A = arith.mulf %add3A_90, %add3A_90 : vector<2048x64xf32>
    %reduce_sum3A = arith.constant dense<0.000000e+00> : vector<2048xf32>
    %reduce_sum3A_91 = vector.multi_reduction <add>, %mul3A, %reduce_sum3A [1] : vector<2048x64xf32> to vector<2048xf32>
    %broadcast_in_dim3A_92 = vector.shape_cast %reduce_sum3A_91 : vector<2048xf32> to vector<2048x1xf32>
    %sqrt3A = math.sqrt %broadcast_in_dim3A_92 : vector<2048x1xf32>
    %max3A_93 = arith.constant 9.99999996E-13 : f32
    %max3A_94 = vector.broadcast %max3A_93 : f32 to vector<2048x1xf32>
    %max3A_95 = arith.maximumf %sqrt3A, %max3A_94 : vector<2048x1xf32>
    %div3A = vector.broadcast %max3A_95 : vector<2048x1xf32> to vector<2048x64xf32>
    %div3A_96 = arith.divf %add3A_90, %div3A : vector<2048x64xf32>
    %swap3A = arith.constant 0 : index
    %swap3A_97 = arith.constant 0 : index
    %swap3A_98 = vector.load %arg27[%swap3A, %swap3A_97] : memref<2048x64xf32, #tpu.memory_space<vmem>>, vector<2048x64xf32>
    tpu.vector_store %arg27[%swap3A, %swap3A_97], %div3A_96 {strides = array<i32>} : memref<2048x64xf32, #tpu.memory_space<vmem>>, vector<2048x64xf32>,
    %get3A_99 = arith.constant 0 : index
    %get3A_100 = arith.constant 0 : index
    %get3A_101 = vector.load %arg8[%get3A_99, %get3A_100] : memref<2048x768xf32, #tpu.memory_space<vmem>>, vector<2048x768xf32>
    %get3A_102 = arith.constant 0 : index
    %get3A_103 = arith.constant 0 : index
    %get3A_104 = vector.load %arg13[%get3A_102, %get3A_103] : memref<768x64xf32, #tpu.memory_space<vmem>>, vector<768x64xf32>
    %dot_general3A_105 = arith.constant dense<0.000000e+00> : vector<2048x64xf32>
    %dot_general3A_106 = tpu.matmul %get3A_101, %get3A_104, %dot_general3A_105 {dimension_numbers = #tpu.dot_dimension_numbers<[1], [0], [0], [1], [0, 0, 1, 1], [], []>, transpose_lhs_hint = false} : vector<2048x768xf32>, vector<768x64xf32>, vector<2048x64xf32> -> vector<2048x64xf32>
    %get3A_107 = arith.constant 0 : index
    %get3A_108 = arith.constant 0 : index
    %get3A_109 = vector.load %arg14[%get3A_107, %get3A_108] : memref<1x64xf32, #tpu.memory_space<vmem>>, vector<1x64xf32>
    %add3A_110 = vector.broadcast %get3A_109 : vector<1x64xf32> to vector<2048x64xf32>
    %add3A_111 = arith.addf %dot_general3A_106, %add3A_110 : vector<2048x64xf32>
    %get3A_112 = arith.constant 0 : index
    %get3A_113 = arith.constant 0 : index
    %get3A_114 = vector.load %arg2[%get3A_112, %get3A_113] : memref<2048x64xf32, #tpu.memory_space<vmem>>, vector<2048x64xf32>
    %get3A_115 = arith.constant 0 : index
    %get3A_116 = arith.constant 0 : index
    %get3A_117 = arith.constant 0 : index
    %get3A_118 = vector.load %arg7[%get3A_115, %get3A_116, %get3A_117] : memref<1x1x2048xi32, #tpu.memory_space<vmem>>, vector<1x1x2048xi32>
    %get3A_119 = vector.shape_cast %get3A_118 : vector<1x1x2048xi32> to vector<2048xi32>
    %broadcast_in_dim3A_120 = vector.shape_cast %get3A_119 : vector<2048xi32> to vector<2048x1xi32>
    %iota3A_121 = tpu.iota {dimensions = array<i32: 1>} : vector<2048x1000xi32>
    %eq3A_122 = vector.broadcast %broadcast_in_dim3A_120 : vector<2048x1xi32> to vector<2048x1000xi32>
    %eq3A_123 = arith.cmpi eq, %eq3A_122, %iota3A_121 : vector<2048x1000xi32>
    %convert_element_type3A_124 = arith.extui %eq3A_123 : vector<2048x1000xi1> to vector<2048x1000xi32>
    %convert_element_type3A_125 = arith.sitofp %convert_element_type3A_124 : vector<2048x1000xi32> to vector<2048x1000xf32>
    %get3A_126 = arith.constant 0 : index
    %get3A_127 = arith.constant 0 : index
    %get3A_128 = vector.load %arg12[%get3A_126, %get3A_127] : memref<1000x64xf32, #tpu.memory_space<vmem>>, vector<1000x64xf32>
    %dot_general3A_129 = arith.constant dense<0.000000e+00> : vector<2048x64xf32>
    %dot_general3A_130 = tpu.matmul %convert_element_type3A_125, %get3A_128, %dot_general3A_129 {dimension_numbers = #tpu.dot_dimension_numbers<[1], [0], [0], [1], [0, 0, 1, 1], [], []>, transpose_lhs_hint = false} : vector<2048x1000xf32>, vector<1000x64xf32>, vector<2048x64xf32> -> vector<2048x64xf32>
    %get3A_131 = arith.constant 0 : index
    %get3A_132 = arith.constant 0 : index
    %get3A_133 = vector.load %arg3[%get3A_131, %get3A_132] : memref<2048x64xf32, #tpu.memory_space<vmem>>, vector<2048x64xf32>
    %get3A_134 = arith.constant 0 : index
    %get3A_135 = arith.constant 0 : index
    %get3A_136 = vector.load %arg21[%get3A_134, %get3A_135] : memref<256x256xf32, #tpu.memory_space<vmem>>, vector<256x256xf32>
    %get3A_137 = arith.constant 0 : index
    %get3A_138 = arith.constant 0 : index
    %get3A_139 = vector.load %arg22[%get3A_137, %get3A_138] : memref<1x256xf32, #tpu.memory_space<vmem>>, vector<1x256xf32>
    %get3A_140 = arith.constant 0 : index
    %get3A_141 = arith.constant 0 : index
    %get3A_142 = vector.load %arg23[%get3A_140, %get3A_141] : memref<256x128xf32, #tpu.memory_space<vmem>>, vector<256x128xf32>
    %get3A_143 = arith.constant 0 : index
    %get3A_144 = arith.constant 0 : index
    %get3A_145 = vector.load %arg24[%get3A_143, %get3A_144] : memref<1x128xf32, #tpu.memory_space<vmem>>, vector<1x128xf32>
    %get3A_146 = arith.constant 0 : index
    %get3A_147 = arith.constant 0 : index
    %get3A_148 = vector.load %arg25[%get3A_146, %get3A_147] : memref<128x64xf32, #tpu.memory_space<vmem>>, vector<128x64xf32>
    %get3A_149 = arith.constant 0 : index
    %get3A_150 = arith.constant 0 : index
    %get3A_151 = vector.load %arg26[%get3A_149, %get3A_150] : memref<1x64xf32, #tpu.memory_space<vmem>>, vector<1x64xf32>
    %slice3A_152 = vector.extract_strided_slice %get3A_136 {offsets = [0, 0], sizes = [64, 256], strides = [1, 1]} : vector<256x256xf32> to vector<64x256xf32>
    %dot_general3A_153 = arith.constant dense<0.000000e+00> : vector<2048x256xf32>
    %dot_general3A_154 = tpu.matmul %get3A_114, %slice3A_152, %dot_general3A_153 {dimension_numbers = #tpu.dot_dimension_numbers<[1], [0], [0], [1], [0, 0, 1, 1], [], []>, transpose_lhs_hint = false} : vector<2048x64xf32>, vector<64x256xf32>, vector<2048x256xf32> -> vector<2048x256xf32>
    %add3A_155 = vector.broadcast %get3A_139 : vector<1x256xf32> to vector<2048x256xf32>
    %add3A_156 = arith.addf %add3A_155, %dot_general3A_154 : vector<2048x256xf32>
    %slice3A_157 = vector.extract_strided_slice %get3A_136 {offsets = [64, 0], sizes = [64, 256], strides = [1, 1]} : vector<256x256xf32> to vector<64x256xf32>
    %dot_general3A_158 = arith.constant dense<0.000000e+00> : vector<2048x256xf32>
    %dot_general3A_159 = tpu.matmul %dot_general3A_130, %slice3A_157, %dot_general3A_158 {dimension_numbers = #tpu.dot_dimension_numbers<[1], [0], [0], [1], [0, 0, 1, 1], [], []>, transpose_lhs_hint = false} : vector<2048x64xf32>, vector<64x256xf32>, vector<2048x256xf32> -> vector<2048x256xf32>
    %add3A_160 = arith.addf %add3A_156, %dot_general3A_159 : vector<2048x256xf32>
    %slice3A_161 = vector.extract_strided_slice %get3A_136 {offsets = [128, 0], sizes = [64, 256], strides = [1, 1]} : vector<256x256xf32> to vector<64x256xf32>
    %dot_general3A_162 = arith.constant dense<0.000000e+00> : vector<2048x256xf32>
    %dot_general3A_163 = tpu.matmul %get3A_133, %slice3A_161, %dot_general3A_162 {dimension_numbers = #tpu.dot_dimension_numbers<[1], [0], [0], [1], [0, 0, 1, 1], [], []>, transpose_lhs_hint = false} : vector<2048x64xf32>, vector<64x256xf32>, vector<2048x256xf32> -> vector<2048x256xf32>
    %add3A_164 = arith.addf %add3A_160, %dot_general3A_163 : vector<2048x256xf32>
    %slice3A_165 = vector.extract_strided_slice %get3A_136 {offsets = [192, 0], sizes = [64, 256], strides = [1, 1]} : vector<256x256xf32> to vector<64x256xf32>
    %dot_general3A_166 = arith.constant dense<0.000000e+00> : vector<2048x256xf32>
    %dot_general3A_167 = tpu.matmul %add3A_111, %slice3A_165, %dot_general3A_166 {dimension_numbers = #tpu.dot_dimension_numbers<[1], [0], [0], [1], [0, 0, 1, 1], [], []>, transpose_lhs_hint = false} : vector<2048x64xf32>, vector<64x256xf32>, vector<2048x256xf32> -> vector<2048x256xf32>
    %add3A_168 = arith.addf %add3A_164, %dot_general3A_167 : vector<2048x256xf32>
    %max3A_169 = arith.constant 0.000000e+00 : f32
    %max3A_170 = vector.broadcast %max3A_169 : f32 to vector<2048x256xf32>
    %max3A_171 = arith.maximumf %add3A_168, %max3A_170 : vector<2048x256xf32>
    %dot_general3A_172 = arith.constant dense<0.000000e+00> : vector<2048x128xf32>
    %dot_general3A_173 = tpu.matmul %max3A_171, %get3A_142, %dot_general3A_172 {dimension_numbers = #tpu.dot_dimension_numbers<[1], [0], [0], [1], [0, 0, 1, 1], [], []>, transpose_lhs_hint = false} : vector<2048x256xf32>, vector<256x128xf32>, vector<2048x128xf32> -> vector<2048x128xf32>
    %add3A_174 = vector.broadcast %get3A_145 : vector<1x128xf32> to vector<2048x128xf32>
    %add3A_175 = arith.addf %dot_general3A_173, %add3A_174 : vector<2048x128xf32>
    %max3A_176 = arith.constant 0.000000e+00 : f32
    %max3A_177 = vector.broadcast %max3A_176 : f32 to vector<2048x128xf32>
    %max3A_178 = arith.maximumf %add3A_175, %max3A_177 : vector<2048x128xf32>
    %dot_general3A_179 = arith.constant dense<0.000000e+00> : vector<2048x64xf32>
    %dot_general3A_180 = tpu.matmul %max3A_178, %get3A_148, %dot_general3A_179 {dimension_numbers = #tpu.dot_dimension_numbers<[1], [0], [0], [1], [0, 0, 1, 1], [], []>, transpose_lhs_hint = false} : vector<2048x128xf32>, vector<128x64xf32>, vector<2048x64xf32> -> vector<2048x64xf32>
    %add3A_181 = vector.broadcast %get3A_151 : vector<1x64xf32> to vector<2048x64xf32>
    %add3A_182 = arith.addf %dot_general3A_180, %add3A_181 : vector<2048x64xf32>
    %mul3A_183 = arith.mulf %add3A_182, %add3A_182 : vector<2048x64xf32>
    %reduce_sum3A_184 = arith.constant dense<0.000000e+00> : vector<2048xf32>
    %reduce_sum3A_185 = vector.multi_reduction <add>, %mul3A_183, %reduce_sum3A_184 [1] : vector<2048x64xf32> to vector<2048xf32>
    %broadcast_in_dim3A_186 = vector.shape_cast %reduce_sum3A_185 : vector<2048xf32> to vector<2048x1xf32>
    %sqrt3A_187 = math.sqrt %broadcast_in_dim3A_186 : vector<2048x1xf32>
    %max3A_188 = arith.constant 9.99999996E-13 : f32
    %max3A_189 = vector.broadcast %max3A_188 : f32 to vector<2048x1xf32>
    %max3A_190 = arith.maximumf %sqrt3A_187, %max3A_189 : vector<2048x1xf32>
    %div3A_191 = vector.broadcast %max3A_190 : vector<2048x1xf32> to vector<2048x64xf32>
    %div3A_192 = arith.divf %add3A_182, %div3A_191 : vector<2048x64xf32>
    %swap3A_193 = arith.constant 0 : index
    %swap3A_194 = arith.constant 0 : index
    %swap3A_195 = vector.load %arg28[%swap3A_193, %swap3A_194] : memref<2048x64xf32, #tpu.memory_space<vmem>>, vector<2048x64xf32>
    tpu.vector_store %arg28[%swap3A_193, %swap3A_194], %div3A_192 {strides = array<i32>} : memref<2048x64xf32, #tpu.memory_space<vmem>>, vector<2048x64xf32>,
    return
  }
  func.func @transform_0(%arg0: i32) -> (i32, i32) {
    %c0_i32 = arith.constant 0 : i32
    %c0_i32_0 = arith.constant 0 : i32
    return %arg0, %c0_i32 : i32, i32
  }
  func.func @transform_1(%arg0: i32) -> (i32, i32) {
    %c0_i32 = arith.constant 0 : i32
    %c0_i32_0 = arith.constant 0 : i32
    return %arg0, %c0_i32 : i32, i32
  }
  func.func @transform_2(%arg0: i32) -> (i32, i32) {
    %c0_i32 = arith.constant 0 : i32
    %c0_i32_0 = arith.constant 0 : i32
    return %arg0, %c0_i32 : i32, i32
  }
  func.func @transform_3(%arg0: i32) -> (i32, i32, i32) {
    %c0_i32 = arith.constant 0 : i32
    %c0_i32_0 = arith.constant 0 : i32
    %c0_i32_1 = arith.constant 0 : i32
    return %arg0, %c0_i32, %c0_i32_0 : i32, i32, i32
  }
  func.func @transform_4(%arg0: i32) -> (i32, i32, i32) {
    %c0_i32 = arith.constant 0 : i32
    %c0_i32_0 = arith.constant 0 : i32
    %c0_i32_1 = arith.constant 0 : i32
    return %arg0, %c0_i32, %c0_i32_0 : i32, i32, i32
  }
  func.func @transform_5(%arg0: i32) -> (i32, i32, i32) {
    %c0_i32 = arith.constant 0 : i32
    %c0_i32_0 = arith.constant 0 : i32
    %c0_i32_1 = arith.constant 0 : i32
    return %arg0, %c0_i32, %c0_i32_0 : i32, i32, i32
  }
  func.func @transform_6(%arg0: i32) -> (i32, i32, i32) {
    %c0_i32 = arith.constant 0 : i32
    %c0_i32_0 = arith.constant 0 : i32
    %c0_i32_1 = arith.constant 0 : i32
    return %arg0, %c0_i32, %c0_i32_0 : i32, i32, i32
  }
  func.func @transform_7(%arg0: i32) -> (i32, i32) {
    %c0_i32 = arith.constant 0 : i32
    %c0_i32_0 = arith.constant 0 : i32
    return %arg0, %c0_i32 : i32, i32
  }
  func.func @transform_8(%arg0: i32) -> (i32, i32) {
    %c0_i32 = arith.constant 0 : i32
    %c0_i32_0 = arith.constant 0 : i32
    %c0_i32_1 = arith.constant 0 : i32
    return %c0_i32, %c0_i32_0 : i32, i32
  }
  func.func @transform_9(%arg0: i32) -> (i32, i32) {
    %c0_i32 = arith.constant 0 : i32
    %c0_i32_0 = arith.constant 0 : i32
    %c0_i32_1 = arith.constant 0 : i32
    return %c0_i32, %c0_i32_0 : i32, i32
  }
  func.func @transform_10(%arg0: i32) -> (i32, i32) {
    %c0_i32 = arith.constant 0 : i32
    %c0_i32_0 = arith.constant 0 : i32
    %c0_i32_1 = arith.constant 0 : i32
    return %c0_i32, %c0_i32_0 : i32, i32
  }
  func.func @transform_11(%arg0: i32) -> (i32, i32) {
    %c0_i32 = arith.constant 0 : i32
    %c0_i32_0 = arith.constant 0 : i32
    %c0_i32_1 = arith.constant 0 : i32
    return %c0_i32, %c0_i32_0 : i32, i32
  }
  func.func @transform_12(%arg0: i32) -> (i32, i32) {
    %c0_i32 = arith.constant 0 : i32
    %c0_i32_0 = arith.constant 0 : i32
    %c0_i32_1 = arith.constant 0 : i32
    return %c0_i32, %c0_i32_0 : i32, i32
  }
  func.func @transform_13(%arg0: i32) -> (i32, i32) {
    %c0_i32 = arith.constant 0 : i32
    %c0_i32_0 = arith.constant 0 : i32
    %c0_i32_1 = arith.constant 0 : i32
    return %c0_i32, %c0_i32_0 : i32, i32
  }
  func.func @transform_14(%arg0: i32) -> (i32, i32) {
    %c0_i32 = arith.constant 0 : i32
    %c0_i32_0 = arith.constant 0 : i32
    %c0_i32_1 = arith.constant 0 : i32
    return %c0_i32, %c0_i32_0 : i32, i32
  }
  func.func @transform_15(%arg0: i32) -> (i32, i32) {
    %c0_i32 = arith.constant 0 : i32
    %c0_i32_0 = arith.constant 0 : i32
    %c0_i32_1 = arith.constant 0 : i32
    return %c0_i32, %c0_i32_0 : i32, i32
  }
  func.func @transform_16(%arg0: i32) -> (i32, i32) {
    %c0_i32 = arith.constant 0 : i32
    %c0_i32_0 = arith.constant 0 : i32
    %c0_i32_1 = arith.constant 0 : i32
    return %c0_i32, %c0_i32_0 : i32, i32
  }
  func.func @transform_17(%arg0: i32) -> (i32, i32) {
    %c0_i32 = arith.constant 0 : i32
    %c0_i32_0 = arith.constant 0 : i32
    %c0_i32_1 = arith.constant 0 : i32
    return %c0_i32, %c0_i32_0 : i32, i32
  }
  func.func @transform_18(%arg0: i32) -> (i32, i32) {
    %c0_i32 = arith.constant 0 : i32
    %c0_i32_0 = arith.constant 0 : i32
    %c0_i32_1 = arith.constant 0 : i32
    return %c0_i32, %c0_i32_0 : i32, i32
  }
  func.func @transform_19(%arg0: i32) -> (i32, i32) {
    %c0_i32 = arith.constant 0 : i32
    %c0_i32_0 = arith.constant 0 : i32
    %c0_i32_1 = arith.constant 0 : i32
    return %c0_i32, %c0_i32_0 : i32, i32
  }
  func.func @transform_20(%arg0: i32) -> (i32, i32) {
    %c0_i32 = arith.constant 0 : i32
    %c0_i32_0 = arith.constant 0 : i32
    %c0_i32_1 = arith.constant 0 : i32
    return %c0_i32, %c0_i32_0 : i32, i32
  }
  func.func @transform_21(%arg0: i32) -> (i32, i32) {
    %c0_i32 = arith.constant 0 : i32
    %c0_i32_0 = arith.constant 0 : i32
    %c0_i32_1 = arith.constant 0 : i32
    return %c0_i32, %c0_i32_0 : i32, i32
  }
  func.func @transform_22(%arg0: i32) -> (i32, i32) {
    %c0_i32 = arith.constant 0 : i32
    %c0_i32_0 = arith.constant 0 : i32
    %c0_i32_1 = arith.constant 0 : i32
    return %c0_i32, %c0_i32_0 : i32, i32
  }
  func.func @transform_23(%arg0: i32) -> (i32, i32) {
    %c0_i32 = arith.constant 0 : i32
    %c0_i32_0 = arith.constant 0 : i32
    %c0_i32_1 = arith.constant 0 : i32
    return %c0_i32, %c0_i32_0 : i32, i32
  }
  func.func @transform_24(%arg0: i32) -> (i32, i32) {
    %c0_i32 = arith.constant 0 : i32
    %c0_i32_0 = arith.constant 0 : i32
    %c0_i32_1 = arith.constant 0 : i32
    return %c0_i32, %c0_i32_0 : i32, i32
  }
  func.func @transform_25(%arg0: i32) -> (i32, i32) {
    %c0_i32 = arith.constant 0 : i32
    %c0_i32_0 = arith.constant 0 : i32
    %c0_i32_1 = arith.constant 0 : i32
    return %c0_i32, %c0_i32_0 : i32, i32
  }
  func.func @transform_26(%arg0: i32) -> (i32, i32) {
    %c0_i32 = arith.constant 0 : i32
    %c0_i32_0 = arith.constant 0 : i32
    return %arg0, %c0_i32 : i32, i32
  }
  func.func @transform_27(%arg0: i32) -> (i32, i32) {
    %c0_i32 = arith.constant 0 : i32
    %c0_i32_0 = arith.constant 0 : i32
    return %arg0, %c0_i32 : i32, i32
  }
}

</mosaic_0001>

<sc_bundles>
// kernel: gather_offload_async_start.1
scs
__scs_entry_jumppad:
0x0: {  	(pc) =	sbr.rel $0x88, $3  }
0x1: {  	(tag) =	ssettag $0x0;
	lr =	simm.s32 $0x1  }
0x2: {  	[smem:$0x3F84] =	sst lr;
	_ =	strace $0xD0000000  }
0x3: {  	_ = 	snop  }
0x4: {  	_ = 	snop  }
0x5: {  	_ = 	snop  }
0x6: {  	_ = 	snop  }
0x7: {  	_ = 	snop  }
__scs_overlays_trampoline_lowered:
0x8: {  	[smem:$0x3F93] =	sst s0  }
0x9: {  	[smem:$0x3F94] =	sst s1  }
0xa: {  	[smem:$0x3F95] =	sst s2  }
0xb: {  	[smem:$0x3F96] =	sst s3  }
0xc: {  	[smem:$0x3F97] =	sst s4  }
0xd: {  	[smem:$0x3F98] =	sst s5  }
0xe: {  	[smem:$0x3F99] =	sst s6  }
0xf: {  	[smem:$0x3F9A] =	sst s7  }
0x10: {  	[smem:$0x3F9B] =	sst s8  }
0x11: {  	[smem:$0x3F9C] =	sst s9;
	s0 =	simm.s32 @!p0 $0x0  }
0x12: {  	s1 =	sld [smem:$0x3F82];
	s0 =	simm.s32 @p0 $0x1  }
0x13: {  	[smem:$0x3F9D] =	sst s0;
	s0 =	simm.s32 @!p1 $0x0  }
0x14: {  	s2 =	sld [smem:$0x3F81];
	s0 =	simm.s32 @p1 $0x1  }
0x15: {  	[smem:$0x3F9E] =	sst s0;
	s0 =	simm.s32 @!p2 $0x0  }
0x16: {  	s3 =	sld [smem:$0x3FDB];
	s0 =	simm.s32 @p2 $0x1  }
0x17: {  	s4 =	simm.s32 $0x1BF5;
	[smem:$0x3FA0] =	sst s0  }
0x18: {  	s0 =	sld [smem:$0x3F83];
	_ =	swait.ge [sflag:s4], $0x0  }
0x19: {  	s7 =	sld [smem:$0x3F84]  }
0x1a: {  	s8 =	sadd.s32 $0xFFFFE003, lr  }
0x1b: {  	s9 =	sadd.s32 $0xFFFFFEF7, lr;
	s5 =	simm.s32 $0xFFFFFFFF;
	p2 =	slt.u32 s8, $0xFFFFF086  }
0x1c: {  	p1 =	slt.u32 s9, $0xF7A;
	s5 =	simm.s32 @!p2 $0x0  }
0x1d: {  	s5 =	simm.s32 @p1 $0x1;
	p0 =	seq.s32 s7, s2  }
0x1e: {  	s7 =	smul.u32 @!p0 $0xF7A, s2;
	p2 =	seq.s32 @!p0 s5, $0x0  }
0x1f: {  	s9 =	smul.u32 $0xF7A, s1;
	s8 =	simm.s32 @!p0 $0x1BF5;
	p2 =	por !p2, p0  }
0x20: {  	[sflag:s8] =	ssyncset.s32 @!p0 $0xFFFFF086;
	s6 =	sadd.s32 @!p0 s3, s7;
	s7 =	simm.s32 @!p0 $0x108  }
0x21: {  	s3 =	sadd.s32 s3, s9;
	s6 =	sadd.s32 @!p0 $0x88, s6;
	s7 =	simm.s32 @p2 $0x1082  }
0x22: {  	[simem:s7], [sflag:s8] =	dma.local @!p0 [hbm:s6], $0xF7A  }
0x23: {  	s9 =	sor.u32 $0xD0000000, s2;
	s6 =	simm.s32 $0x108;
	_ =	swait.ge @!p0 [sflag:s8], $0x0  }
0x24: {  	s3 =	sadd.s32 $0x88, s3;
	s6 =	simm.s32 @!p1 $0x1082;
	[sflag:s4] =	ssyncset.s32 $0xFFFFF086  }
0x25: {  	[simem:s6], [sflag:s4] =	dma.local [hbm:s3], $0xF7A  }
0x26: {  	[smem:$0x3F84] =	sst s1;
	(tag) =	ssettag s2;
	_ =	strace s9  }
0x27: {  	s1 =	sld [smem:$0x3F94]  }
0x28: {  	s2 =	sld [smem:$0x3F95]  }
0x29: {  	s4 =	sld [smem:$0x3F97]  }
0x2a: {  	p0 =	seq.s32 s5, $0x0;
	s5 =	sld [smem:$0x3F98]  }
0x2b: {  	s6 =	sld [smem:$0x3F99]  }
0x2c: {  	s7 =	sld [smem:$0x3F9A]  }
0x2d: {  	s3 =	simm.s32 $0x108;
	s8 =	sld [smem:$0x3F9B]  }
0x2e: {  	s3 =	simm.s32 @!p0 $0x1082;
	s9 =	sld [smem:$0x3F9C]  }
0x2f: {  	lr =	sadd.s32 s0, s3;
	s0 =	sld [smem:$0x3F93]  }
0x30: {  	s3 =	sld [smem:$0x3F96]  }
0x31: {  	[smem:$0x3F9F] =	sst s10  }
0x32: {  	s10 =	sld [smem:$0x3F9D];
	_ =	sdelay $0x3  }
0x33: {  	p0 =	seq.s32 s10, $0x1;
	s10 =	sld [smem:$0x3F9F];
	_ =	sdelay $0x3  }
0x34: {  	[smem:$0x3F9F] =	sst s10  }
0x35: {  	s10 =	sld [smem:$0x3F9E];
	_ =	sdelay $0x3  }
0x36: {  	p1 =	seq.s32 s10, $0x1;
	s10 =	sld [smem:$0x3F9F];
	_ =	sdelay $0x3  }
0x37: {  	[smem:$0x3F9F] =	sst s10  }
0x38: {  	s10 =	sld [smem:$0x3FA0]  }
0x39: {  	_ = 	snop;
	(pc) =	sbr.ind lr, $3  }
0x3a: {  	_ = 	snop  }
0x3b: {  	_ = 	snop  }
0x3c: {  	p2 =	seq.s32 s10, $0x1;
	s10 =	sld [smem:$0x3F9F]  }
0x3d: {  	_ =	shalt  }
0x3e: {  	_ =	shalt  }
0x3f: {  	_ =	shalt  }
0x40: {  	_ =	shalt  }
0x41: {  	_ =	shalt  }
0x42: {  	_ =	shalt  }
0x43: {  	_ =	shalt  }
0x44: {  	_ =	shalt  }
0x45: {  	_ =	shalt  }
0x46: {  	_ =	shalt  }
0x47: {  	_ =	shalt  }
0x48: {  	_ =	shalt  }
0x49: {  	_ =	shalt  }
0x4a: {  	_ =	shalt  }
0x4b: {  	_ =	shalt  }
0x4c: {  	_ =	shalt  }
0x4d: {  	_ =	shalt  }
0x4e: {  	_ =	shalt  }
0x4f: {  	_ =	shalt  }
0x50: {  	_ =	shalt  }
0x51: {  	_ =	shalt  }
0x52: {  	_ =	shalt  }
0x53: {  	_ =	shalt  }
0x54: {  	_ =	shalt  }
0x55: {  	_ =	shalt  }
0x56: {  	_ =	shalt  }
0x57: {  	_ =	shalt  }
0x58: {  	_ =	shalt  }
0x59: {  	_ =	shalt  }
0x5a: {  	_ =	shalt  }
0x5b: {  	_ =	shalt  }
0x5c: {  	_ =	shalt  }
0x5d: {  	_ =	shalt  }
0x5e: {  	_ =	shalt  }
0x5f: {  	_ =	shalt  }
0x60: {  	_ =	shalt  }
0x61: {  	_ =	shalt  }
0x62: {  	_ =	shalt  }
0x63: {  	_ =	shalt  }
0x64: {  	_ =	shalt  }
0x65: {  	_ =	shalt  }
0x66: {  	_ =	shalt  }
0x67: {  	_ =	shalt  }
0x68: {  	_ =	shalt  }
0x69: {  	_ =	shalt  }
0x6a: {  	_ =	shalt  }
0x6b: {  	_ =	shalt  }
0x6c: {  	_ =	shalt  }
0x6d: {  	_ =	shalt  }
0x6e: {  	_ =	shalt  }
0x6f: {  	_ =	shalt  }
0x70: {  	_ =	shalt  }
0x71: {  	_ =	shalt  }
0x72: {  	_ =	shalt  }
0x73: {  	_ =	shalt  }
0x74: {  	_ =	shalt  }
0x75: {  	_ =	shalt  }
0x76: {  	_ =	shalt  }
0x77: {  	_ =	shalt  }
0x78: {  	_ =	shalt  }
0x79: {  	_ =	shalt  }
0x7a: {  	_ =	shalt  }
0x7b: {  	_ =	shalt  }
0x7c: {  	_ =	shalt  }
0x7d: {  	_ =	shalt  }
0x7e: {  	_ =	shalt  }
0x7f: {  	_ =	shalt  }
0x80: {  	_ =	shalt  }
0x81: {  	_ =	shalt  }
0x82: {  	_ =	shalt  }
0x83: {  	_ =	shalt  }
0x84: {  	_ =	shalt  }
0x85: {  	_ =	shalt  }
0x86: {  	_ =	shalt  }
0x87: {  	_ =	shalt  }
.Lfunc_end0:
.L_simem_size_0:
called_computation.1_lowered:
.L_overlay_start_0:
0x88: {  	s2 =	sld [smem:$0x3FD9]  }
0x89: {  	s3 =	sld [smem:$0x3FFE];
	_ =	sdelay $0x1  }
0x8a: {  	s1 =	srdreg.scid  }
0x8b: {  	s0 =	sand.u32 $0x1, s1  }
0x8c: {  	s17 =	sshll.u32 s0, $0xA;
	s2 =	sadd.s32 s3, s2  }
0x8d: {  	s2 =	sadd.s32 s2, s17  }
0x8e: {  	[smem:$0x3FAB] =	sst s2  }
0x8f: {  	_ = 	snop  }
0x90: {  	(tm) =	ssettm $0x1  }
0x91: {  	s18 =	sld [smem:$0x3FFB];
	_ =	sdelay $0x3  }
0x92: {  	_ =	strace s18  }
0x93: {  	s2 =	sld [smem:$0x3FFC];
	_ =	sdelay $0x3  }
0x94: {  	_ =	strace s2  }
0x95: {  	s2 =	sld [smem:$0x3FFD];
	_ =	sdelay $0x3  }
0x96: {  	_ =	strace s2  }
0x97: {  	_ =	strace $0x8FFFFFFF  }
0x98: {  	s19 =	sld [smem:$0x3FDB];
	_ =	sdelay $0x1  }
0x99: {  	s20 =	simm.s32 $_scs_section_size  }
0x9a: {  	s4 =	simm.s32 $_size__tile_overlayer_lowered;
	s5 =	simm.s32 $_tile_overlayer_lowered  }
0x9b: {  	s6 =	simm.s32 $0x1BFF;
	s21 =	sshll.u32 s5, $0x1;
	s3 =	sadd.s32 s20, s19  }
0x9c: {  	s22 =	simm.s32 $0x0;
	s4 =	sshll.u32 s4, $0x1;
	s5 =	sadd.s32 s21, s3  }
0x9d: {  	[timem:s22], [sflag:s6] =	dma.local [hbm:s5], s4  }
0x9e: {  	_ =	swait.ge [sflag:s6], s4  }
0x9f: {  	s4 =	ssub.s32 $0x0, s4;
	[sflag:s6] =	ssyncset.done $0x0  }
0xa0: {  	[sflag:s6] =	ssyncadd.s32 s4;
	_ =	sdelay $0x1  }
0xa1: {  	s23 =	simm.s32 $0x1B8B  }
0xa2: {  	_ =	swait.ge [sflag:s23], $0x1  }
0xa3: {  	[sflag:s23] =	ssyncset.done $0x0  }
0xa4: {  	[sflag:s23] =	ssyncadd.s32 $0xFFFFFFFF  }
0xa5: {  	s4 =	sld [smem:$0x0]  }
0xa6: {  	s5 =	sand.u32 $0xFFFFFFFE, s1  }
0xa7: {  	p0 =	sne.s32 s1, s5  }
0xa8: {  	s5 =	sshll.u32 @p0 s5, $0xE  }
0xa9: {  	s5 =	sadd.s32 @p0 $0x11B8D, s5;
	s6 =	sshll.u32 @p0 s4, $0x11  }
0xaa: {  	s5 =	sor.u32 @p0 s6, s5  }
0xab: {  	[sflag:s5] =	ssyncadd.remote.s32 @p0 $0x1;
	_ =	sdelay $0x1  }
0xac: {  	s5 =	simm.s32 @p0 $0x1B8D  }
0xad: {  	_ =	swait.eq @p0 [sflag:s5], $0x1  }
0xae: {  	[sflag:s5] =	ssyncadd.s32 @p0 $0xFFFFFFFF  }
0xaf: {  	s6 =	sshll.u32 @!p0 s1, $0xE  }
0xb0: {  	s6 =	sor.u32 @!p0 $0x4000, s6;
	s5 =	simm.s32 @!p0 $0x1B8D  }
0xb1: {  	s4 =	sshll.u32 @!p0 s4, $0x11;
	s6 =	sadd.s32 @!p0 $0x11B8D, s6;
	_ =	swait.eq @!p0 [sflag:s5], $0x1  }
0xb2: {  	s4 =	sor.u32 @!p0 s4, s6;
	[sflag:s5] =	ssyncadd.s32 @!p0 $0xFFFFFFFF  }
0xb3: {  	s25 =	simm.s32 $0x1B8E;
	s24 =	sld [smem:$0x3FFE];
	[sflag:s4] =	ssyncadd.remote.s32 @!p0 $0x1  }
0xb4: {  	s26 =	simm.s32 $execute0_lowered;
	[smem:$0x3FD2] =	sst s25  }
0xb5: {  	s5 =	sshll.u32 s26, $0x1;
	_ =	strace $0x8000004C;
	[dreg:$0x1] =	wrdreg $0xFFFFFFFF  }
0xb6: {  	s28 =	simm.s32 $_size_execute0_lowered;
	s3 =	sadd.s32 s3, s5;
	[dreg:$0x0] =	wrdreg $0x0  }
0xb7: {  	s5 =	sshll.u32 s28, $0x1;
	[dreg:$0x2] =	wrdreg s3  }
0xb8: {  	[dreg:$0x3] =	wrdreg s5  }
0xb9: {  	[dreg:$0x4] =	wrdreg $0xC0  }
0xba: {  	_ =	task [dreg:s22], $0x5FFFF  }
0xbb: {  	[dreg:$0x1] =	wrdreg $0xFFFFFFFF  }
0xbc: {  	[dreg:$0x0] =	wrdreg $0x60  }
0xbd: {  	[dreg:$0x2] =	wrdreg s24  }
0xbe: {  	[dreg:$0x3] =	wrdreg $0xA  }
0xbf: {  	_ =	task.clear_ibuf [dreg:s22], $0x4FFFF;
	_ =	strace $0x9000004C  }
0xc0: {  	s29 =	simm.s32 $0xA;
	_ =	strace $0x8000004E  }
0xc1: {  	_ =	swait.ge [sflag:s29], $0x1  }
0xc2: {  	[sflag:s29] =	ssyncadd.s32 $0xFFFFFFFF  }
0xc3: {  	_ =	strace $0x9000004E  }
0xc4: {  	_ =	sfence  }
0xc5: {  	s30 =	sld [smem:$0x0];
	_ =	sdelay $0x2  }
0xc6: {  	s31 =	sshll.u32 s1, $0xD;
	s1 =	sshrl.u32 s1, $0x2  }
0xc7: {  	s4 =	sand.u32 $0x4000, s31;
	s1 =	sadd.s32 s1, s30  }
0xc8: {  	s0 =	sor.u32 s4, s0;
	s1 =	sshll.u32 s1, $0x11  }
0xc9: {  	s0 =	sor.u32 s1, s0  }
0xca: {  	s0 =	sadd.s32 $0x8F2B, s0  }
0xcb: {  	[sflag:s0] =	ssyncadd.remote.s32 $0x1  }
0xcc: {  	_ =	sfence.sel $0xFFFF  }
0xcd: {  	[dreg:$0x0] =	wrdreg $0xFFFFFFFF;
	(pc) =	sbr.abs _section_cstart, $3  }
0xce: {  	[dreg:$0x1] =	wrdreg $0xFFFFFFFF  }
0xcf: {  	_ =	task.clear_ibuf [dreg:s22], $0x2FFFF;
	_ =	strace $0x9FFFFFFF  }
0xd0: {  	(tm) =	ssettm $0x7FFFFFFF  }
0xd1: {  	_ =	shalt  }
tec
execute0_lowered:
.L_overlay_start_1:
0x0: {  	(tag) =	ssettag $0x1  }
0x1: {  	s7 =	rddreg [dreg:$0x0]  }
0x2: {  	s0 =	rddreg [dreg:$0x1];
	_ =	strace $0x8000004D  }
0x3: {  	s1 =	srdreg.scid;
	s4 =	simm.s32 $0x1;
	s9 =	simm.s32 $0x3  }
0x4: {  	s11 =	simm.s32 $0x0;
	p0 =	por $0x0, $0x0;
	s5 =	sshll.u32 s1, $0x4  }
.Ltmp0:
0x5: {  	s1 =	stileid.u32;
	s5 =	sand.u32 $0x10, s5;
	(pc) =	sbr.rel .LBB2_1-.Ltmp0, $4  }
0x6: {  	s2 =	sadd.s32 $0x1190200, s7;
	s3 =	sadd.s32 $0x43E00, s7;
	s6 =	sor.u32 s1, s5  }
0x7: {  	[sflag:s4] =	ssyncpa.u1 $0x0;
	s5 =	simm.s32 $0x2;
	s6 =	sshll.u32 s6, $0x9  }
0x8: {  	s7 =	sadd.s32 $0x44600, s7;
	[sflag:s5] =	ssyncpa.u1 $0x0;
	s8 =	sadd.s32 $0x200, s6  }
0x9: {  	vm0 =	vmmov $0xff;
	vm1 =	vcmask $0x3F20;
	[sflag:s9] =	ssyncpa.u1 $0x0;
	s10 =	smov.u32 s6;
	s9 =	simm.s32 $0x0  }
.LBB2_7:
0xa: {  	p1 =	slt.u32 s9, $0x2;
	s11 =	sadd.s32 $0x100, s10  }
0xb: {  	s13 =	smov.u32 s6;
	s9 =	sadd.s32 $0x1, s9;
	p2 =	slt.s32 s11, s8  }
0xc: {  	s13 =	smov.u32 @p2 s11;
	p2 =	sne.s32 s9, $0x4  }
.Ltmp1:
0xd: {  	_ = 	snop;
	(pc) =	sbr.rel @!p2 .LBB2_8-.Ltmp1, $4  }
0xe: {  	s12 =	simm.s32 @!p1 $0x3  }
0xf: {  	_ =	swait.ge @!p1 [sflag:s12], $0x8000  }
0x10: {  	p0 =	por !p0, !p0;
	[sflag:s12] =	ssyncset.done @!p1 $0x0  }
0x11: {  	s11 =	smov.u32 s10;
	s10 =	smov.u32 s13;
	[sflag:s12] =	ssyncadd.s32 @!p1 $0xFFFF8000  }
.LBB2_1:
0x12: {  	p1 =	sgt.u32 s9, $0x1  }
0x13: {  	s12 =	sshll.u32 @!p1 s9, $0x8;
	s13 =	sshrl.u32 @!p1 s10, $0x3  }
0x14: {  	s14 =	sand.u32 @!p1 $0x7, s10;
	s12 =	sxor.u32 @!p1 $0x100, s12;
	s13 =	sadd.s32 @!p1 s3, s13  }
0x15: {  	[tilespmem:s12], [sflag:$0x2] =	stream.linear.gather @!p1 [hbm4b:s13+s14], $0x100, $0x38;
	[tilespmem:$0x10200] =	vst v63  }
0x16: {  	p1 =	seq.s32 s9, $0x0  }
0x17: {  	p2 =	seq.s32 @!p1 s9, $0x3  }
0x18: {  	p1 =	por p1, p2  }
.Ltmp2:
0x19: {  	_ = 	snop;
	(pc) =	sbr.rel @p1 .LBB2_7-.Ltmp2, $1  }
0x1a: {  	_ =	sdelay $0x3  }
0x1b: {  	s12 =	simm.s32 $0x1  }
0x1c: {  	_ =	swait.ge [sflag:s5], $0x100;
	s12 =	simm.s32 @!p0 $0x0  }
0x1d: {  	[sflag:s5] =	ssyncset.done $0x0;
	s14 =	sshll.u32 s12, $0x8  }
0x1e: {  	[sflag:s5] =	ssyncadd.s32 $0xFFFFFF00;
	s13 =	sadd.s32 $0x0, s14  }
0x1f: {  	v0 =	vld.msk [tilespmem:s13+$0x0 ss:$0x1], $0xffff;
	_ =	sdelay $0x4  }
0x20: {  	vm2 =	vgt.s32 v0, $0x0  }
0x21: {  	v0 =	vnsel vm2, $0x0, v0  }
0x22: {  	v0 =	vmin.u32 v0, $0xF423F  }
0x23: {  	v0 =	vshll.u32 v0, $0x4;
	_ =	sdelay $0x2  }
0x24: {  	s12 =	sshll.u32 s12, $0xF  }
0x25: {  	s12 =	sor.u32 $0x200, s12  }
0x26: {  	[tilespmem:s12], [sflag:$0x1] =	stream.indirect_vreg.gather [hbm:s2], $0x80, v0, vm0, $0x38;
	[tilespmem:$0x10200] =	vst v63  }
0x27: {  	s15 =	sadd.s32 $0x10, s14;
	s13 =	sadd.s32 $0x400, s12  }
0x28: {  	[tilespmem:s13], [sflag:$0x1] =	stream.indirect_vreg.gather [hbm:s2], $0x80, v0, vm1, $0x38;
	[tilespmem:$0x10200] =	vst v63  }
0x29: {  	s16 =	simm.s32 $0x80;
	v0 =	vld.msk [tilespmem:s15+$0x0 ss:$0x1], $0xffff;
	s15 =	smov.u32 s12  }
.LBB2_3:
0x2a: {  	p1 =	sne.s32 s16, $0x3C0;
	_ =	sdelay $0x4  }
0x2b: {  	vm2 =	vgt.s32 v0, $0x0  }
0x2c: {  	v0 =	vnsel vm2, $0x0, v0  }
0x2d: {  	v0 =	vmin.u32 v0, $0xF423F  }
0x2e: {  	v0 =	vshll.u32 v0, $0x4;
	_ =	sdelay $0x3  }
.Ltmp3:
0x2f: {  	s17 =	sshra.s32 s16, $0x2;
	s15 =	sadd.s32 $0x800, s15;
	(pc) =	sbr.rel @p1 .LBB2_3-.Ltmp3, $4  }
0x30: {  	[tilespmem:s15], [sflag:$0x1] =	stream.indirect_vreg.gather [hbm:s2], $0x80, v0, vm0, $0x38;
	[tilespmem:$0x10200] =	vst v63  }
0x31: {  	s17 =	sadd.s32 s17, s14;
	s18 =	sadd.s32 $0x400, s15  }
0x32: {  	[tilespmem:s18], [sflag:$0x1] =	stream.indirect_vreg.gather [hbm:s2], $0x80, v0, vm1, $0x38;
	[tilespmem:$0x10200] =	vst v63  }
0x33: {  	s16 =	sadd.s32 $0x40, s16;
	v0 =	vld.msk [tilespmem:s17+$0x0 ss:$0x1], $0xffff  }
0x34: {  	_ =	sdelay $0x3  }
0x35: {  	vm2 =	vgt.s32 v0, $0x0  }
0x36: {  	v0 =	vnsel vm2, $0x0, v0  }
0x37: {  	v0 =	vmin.u32 v0, $0xF423F  }
0x38: {  	v0 =	vshll.u32 v0, $0x4;
	_ =	sdelay $0x3  }
0x39: {  	s14 =	sadd.s32 $0x800, s15  }
0x3a: {  	[tilespmem:s14], [sflag:$0x1] =	stream.indirect_vreg.gather [hbm:s2], $0x80, v0, vm0, $0x38;
	[tilespmem:$0x10200] =	vst v63  }
0x3b: {  	s14 =	sadd.s32 $0x400, s14  }
0x3c: {  	[tilespmem:s14], [sflag:$0x1] =	stream.indirect_vreg.gather [hbm:s2], $0x80, v0, vm1, $0x38;
	[tilespmem:$0x10200] =	vst v63  }
0x3d: {  	s11 =	sshll.u32 s11, $0x4;
	_ =	swait.ge [sflag:s4], $0x8000  }
0x3e: {  	s11 =	sadd.s32 s11, s7;
	[sflag:s4] =	ssyncset.done $0x0  }
0x3f: {  	s15 =	sadd.s32 $0x0, s11;
	s14 =	simm.s32 $0x80;
	[sflag:s4] =	ssyncadd.s32 $0xFFFF8000  }
.LBB2_5:
0x40: {  	[hbm:s15] =	stream.linear.scatter [tilespmem:s12], [sflag:$0x3], $0x400, $0x38;
	[tilespmem:$0x10200] =	vst v63  }
0x41: {  	s15 =	smov.u32 s14;
	s12 =	smov.u32 s13;
	p1 =	sne.s32 s14, $0xF80  }
.Ltmp4:
0x42: {  	s14 =	sadd.s32 $0x80, s14;
	(pc) =	sbr.rel @p1 .LBB2_5-.Ltmp4, $2  }
0x43: {  	_ =	sdelay $0x2  }
0x44: {  	s13 =	sadd.s32 $0x400, s13;
	s15 =	sadd.s32 s15, s11  }
.Ltmp5:
0x45: {  	(pc) =	sbr.rel .LBB2_7-.Ltmp5, $2  }
0x46: {  	_ =	sdelay $0x2  }
0x47: {  	[hbm:s15] =	stream.linear.scatter [tilespmem:s12], [sflag:$0x3], $0x400, $0x38;
	[tilespmem:$0x10200] =	vst v63  }
.LBB2_8:
0x48: {  	_ =	sfence.sel $0x180000  }
0x49: {  	s2 =	simm.s32 $0x2;
	[bflag:$0x0] =	sbarrier.arrive $0xFFFF  }
0x4a: {  	s30 =	simm.s32 $0x3;
	[sflag:s2] =	ssyncpa.u1 $0x1  }
0x4b: {  	s31 =	simm.s32 $0x1;
	[sflag:s30] =	ssyncpa.u1 $0x1  }
0x4c: {  	[sflag:s31] =	ssyncpa.u1 $0x1  }
0x4d: {  	p0 =	sne.s32 s1, $0x0;
	_ =	strace $0x9000004D  }
0x4e: {  	s0 =	sadd.s32 @!p0 $0x100000, s0;
	[bflag:$0x2] =	sbarrier.arrive $0xFFFF  }
0x4f: {  	[sflag:s0] =	ssyncadd.tile.s32 @!p0 $0x1;
	_ =	shalt  }
.Lfunc_end2:
_tile_overlayer_lowered:
.L_overlay_start_2:
0x50: {  	(tag) =	ssettag $0x2  }
0x51: {  	s0 =	rddreg [dreg:$0x0];
	s2 =	stileid.u32  }
0x52: {  	s1 =	rddreg [dreg:$0x1];
	p0 =	sne.s32 s2, $0x0  }
0x53: {  	s3 =	rddreg [dreg:$0x2];
	[bflag:$0x3] =	sbarrier.arrive $0xFFFF;
	s2 =	simm.s32 @!p0 $0x1C01  }
0x54: {  	[timem:s3], [sflag:s2] =	dma.local @!p0 [hbm:s0], s1  }
0x55: {  	s0 =	simm.s32 @!p0 $0x1  }
0x56: {  	_ =	swait.ge @!p0 [sflag:s0], s1  }
0x57: {  	s1 =	ssub.s32 @!p0 $0x0, s1;
	[sflag:s0] =	ssyncset.done @!p0 $0x0  }
0x58: {  	[sflag:s0] =	ssyncadd.s32 @!p0 s1  }
0x59: {  	[bflag:$0x3] =	sbarrier.arrive $0xFFFF  }
0x5a: {  	_ =	shalt  }

// kernel: gather_offload_async_start
scs
__scs_entry_jumppad:
0x0: {  	(pc) =	sbr.rel $0x88, $3  }
0x1: {  	(tag) =	ssettag $0x0;
	lr =	simm.s32 $0x1  }
0x2: {  	[smem:$0x3F84] =	sst lr;
	_ =	strace $0xD0000000  }
0x3: {  	_ = 	snop  }
0x4: {  	_ = 	snop  }
0x5: {  	_ = 	snop  }
0x6: {  	_ = 	snop  }
0x7: {  	_ = 	snop  }
__scs_overlays_trampoline_lowered:
0x8: {  	[smem:$0x3F93] =	sst s0  }
0x9: {  	[smem:$0x3F94] =	sst s1  }
0xa: {  	[smem:$0x3F95] =	sst s2  }
0xb: {  	[smem:$0x3F96] =	sst s3  }
0xc: {  	[smem:$0x3F97] =	sst s4  }
0xd: {  	[smem:$0x3F98] =	sst s5  }
0xe: {  	[smem:$0x3F99] =	sst s6  }
0xf: {  	[smem:$0x3F9A] =	sst s7  }
0x10: {  	[smem:$0x3F9B] =	sst s8  }
0x11: {  	[smem:$0x3F9C] =	sst s9;
	s0 =	simm.s32 @!p0 $0x0  }
0x12: {  	s1 =	sld [smem:$0x3F82];
	s0 =	simm.s32 @p0 $0x1  }
0x13: {  	[smem:$0x3F9D] =	sst s0;
	s0 =	simm.s32 @!p1 $0x0  }
0x14: {  	s2 =	sld [smem:$0x3F81];
	s0 =	simm.s32 @p1 $0x1  }
0x15: {  	[smem:$0x3F9E] =	sst s0;
	s0 =	simm.s32 @!p2 $0x0  }
0x16: {  	s3 =	sld [smem:$0x3FDB];
	s0 =	simm.s32 @p2 $0x1  }
0x17: {  	s4 =	simm.s32 $0x1BF5;
	[smem:$0x3FA0] =	sst s0  }
0x18: {  	s0 =	sld [smem:$0x3F83];
	_ =	swait.ge [sflag:s4], $0x0  }
0x19: {  	s7 =	sld [smem:$0x3F84]  }
0x1a: {  	s8 =	sadd.s32 $0xFFFFE003, lr  }
0x1b: {  	s9 =	sadd.s32 $0xFFFFFEF7, lr;
	s5 =	simm.s32 $0xFFFFFFFF;
	p2 =	slt.u32 s8, $0xFFFFF086  }
0x1c: {  	p1 =	slt.u32 s9, $0xF7A;
	s5 =	simm.s32 @!p2 $0x0  }
0x1d: {  	s5 =	simm.s32 @p1 $0x1;
	p0 =	seq.s32 s7, s2  }
0x1e: {  	s7 =	smul.u32 @!p0 $0xF7A, s2;
	p2 =	seq.s32 @!p0 s5, $0x0  }
0x1f: {  	s9 =	smul.u32 $0xF7A, s1;
	s8 =	simm.s32 @!p0 $0x1BF5;
	p2 =	por !p2, p0  }
0x20: {  	[sflag:s8] =	ssyncset.s32 @!p0 $0xFFFFF086;
	s6 =	sadd.s32 @!p0 s3, s7;
	s7 =	simm.s32 @!p0 $0x108  }
0x21: {  	s3 =	sadd.s32 s3, s9;
	s6 =	sadd.s32 @!p0 $0x88, s6;
	s7 =	simm.s32 @p2 $0x1082  }
0x22: {  	[simem:s7], [sflag:s8] =	dma.local @!p0 [hbm:s6], $0xF7A  }
0x23: {  	s9 =	sor.u32 $0xD0000000, s2;
	s6 =	simm.s32 $0x108;
	_ =	swait.ge @!p0 [sflag:s8], $0x0  }
0x24: {  	s3 =	sadd.s32 $0x88, s3;
	s6 =	simm.s32 @!p1 $0x1082;
	[sflag:s4] =	ssyncset.s32 $0xFFFFF086  }
0x25: {  	[simem:s6], [sflag:s4] =	dma.local [hbm:s3], $0xF7A  }
0x26: {  	[smem:$0x3F84] =	sst s1;
	(tag) =	ssettag s2;
	_ =	strace s9  }
0x27: {  	s1 =	sld [smem:$0x3F94]  }
0x28: {  	s2 =	sld [smem:$0x3F95]  }
0x29: {  	s4 =	sld [smem:$0x3F97]  }
0x2a: {  	p0 =	seq.s32 s5, $0x0;
	s5 =	sld [smem:$0x3F98]  }
0x2b: {  	s6 =	sld [smem:$0x3F99]  }
0x2c: {  	s7 =	sld [smem:$0x3F9A]  }
0x2d: {  	s3 =	simm.s32 $0x108;
	s8 =	sld [smem:$0x3F9B]  }
0x2e: {  	s3 =	simm.s32 @!p0 $0x1082;
	s9 =	sld [smem:$0x3F9C]  }
0x2f: {  	lr =	sadd.s32 s0, s3;
	s0 =	sld [smem:$0x3F93]  }
0x30: {  	s3 =	sld [smem:$0x3F96]  }
0x31: {  	[smem:$0x3F9F] =	sst s10  }
0x32: {  	s10 =	sld [smem:$0x3F9D];
	_ =	sdelay $0x3  }
0x33: {  	p0 =	seq.s32 s10, $0x1;
	s10 =	sld [smem:$0x3F9F];
	_ =	sdelay $0x3  }
0x34: {  	[smem:$0x3F9F] =	sst s10  }
0x35: {  	s10 =	sld [smem:$0x3F9E];
	_ =	sdelay $0x3  }
0x36: {  	p1 =	seq.s32 s10, $0x1;
	s10 =	sld [smem:$0x3F9F];
	_ =	sdelay $0x3  }
0x37: {  	[smem:$0x3F9F] =	sst s10  }
0x38: {  	s10 =	sld [smem:$0x3FA0]  }
0x39: {  	_ = 	snop;
	(pc) =	sbr.ind lr, $3  }
0x3a: {  	_ = 	snop  }
0x3b: {  	_ = 	snop  }
0x3c: {  	p2 =	seq.s32 s10, $0x1;
	s10 =	sld [smem:$0x3F9F]  }
0x3d: {  	_ =	shalt  }
0x3e: {  	_ =	shalt  }
0x3f: {  	_ =	shalt  }
0x40: {  	_ =	shalt  }
0x41: {  	_ =	shalt  }
0x42: {  	_ =	shalt  }
0x43: {  	_ =	shalt  }
0x44: {  	_ =	shalt  }
0x45: {  	_ =	shalt  }
0x46: {  	_ =	shalt  }
0x47: {  	_ =	shalt  }
0x48: {  	_ =	shalt  }
0x49: {  	_ =	shalt  }
0x4a: {  	_ =	shalt  }
0x4b: {  	_ =	shalt  }
0x4c: {  	_ =	shalt  }
0x4d: {  	_ =	shalt  }
0x4e: {  	_ =	shalt  }
0x4f: {  	_ =	shalt  }
0x50: {  	_ =	shalt  }
0x51: {  	_ =	shalt  }
0x52: {  	_ =	shalt  }
0x53: {  	_ =	shalt  }
0x54: {  	_ =	shalt  }
0x55: {  	_ =	shalt  }
0x56: {  	_ =	shalt  }
0x57: {  	_ =	shalt  }
0x58: {  	_ =	shalt  }
0x59: {  	_ =	shalt  }
0x5a: {  	_ =	shalt  }
0x5b: {  	_ =	shalt  }
0x5c: {  	_ =	shalt  }
0x5d: {  	_ =	shalt  }
0x5e: {  	_ =	shalt  }
0x5f: {  	_ =	shalt  }
0x60: {  	_ =	shalt  }
0x61: {  	_ =	shalt  }
0x62: {  	_ =	shalt  }
0x63: {  	_ =	shalt  }
0x64: {  	_ =	shalt  }
0x65: {  	_ =	shalt  }
0x66: {  	_ =	shalt  }
0x67: {  	_ =	shalt  }
0x68: {  	_ =	shalt  }
0x69: {  	_ =	shalt  }
0x6a: {  	_ =	shalt  }
0x6b: {  	_ =	shalt  }
0x6c: {  	_ =	shalt  }
0x6d: {  	_ =	shalt  }
0x6e: {  	_ =	shalt  }
0x6f: {  	_ =	shalt  }
0x70: {  	_ =	shalt  }
0x71: {  	_ =	shalt  }
0x72: {  	_ =	shalt  }
0x73: {  	_ =	shalt  }
0x74: {  	_ =	shalt  }
0x75: {  	_ =	shalt  }
0x76: {  	_ =	shalt  }
0x77: {  	_ =	shalt  }
0x78: {  	_ =	shalt  }
0x79: {  	_ =	shalt  }
0x7a: {  	_ =	shalt  }
0x7b: {  	_ =	shalt  }
0x7c: {  	_ =	shalt  }
0x7d: {  	_ =	shalt  }
0x7e: {  	_ =	shalt  }
0x7f: {  	_ =	shalt  }
0x80: {  	_ =	shalt  }
0x81: {  	_ =	shalt  }
0x82: {  	_ =	shalt  }
0x83: {  	_ =	shalt  }
0x84: {  	_ =	shalt  }
0x85: {  	_ =	shalt  }
0x86: {  	_ =	shalt  }
0x87: {  	_ =	shalt  }
.Lfunc_end0:
.L_simem_size_0:
called_computation_lowered:
.L_overlay_start_0:
0x88: {  	s2 =	sld [smem:$0x3FD9]  }
0x89: {  	s3 =	sld [smem:$0x3FFE];
	_ =	sdelay $0x1  }
0x8a: {  	s1 =	srdreg.scid  }
0x8b: {  	s0 =	sand.u32 $0x1, s1  }
0x8c: {  	s15 =	sshll.u32 s0, $0xA;
	s2 =	sadd.s32 s3, s2  }
0x8d: {  	s2 =	sadd.s32 s2, s15  }
0x8e: {  	[smem:$0x3FAB] =	sst s2  }
0x8f: {  	_ = 	snop  }
0x90: {  	s2 =	sld [smem:$0x3FD0];
	_ =	sdelay $0x2  }
0x91: {  	s16 =	simm.s32 $0xC;
	s4 =	simm.s32 $0x10  }
0x92: {  	[smem:s4], [sflag:s16] =	dma.local [hbm:s2], $0x1  }
0x93: {  	_ =	swait.eq [sflag:s16], $0x1  }
0x94: {  	[sflag:s16] =	ssyncset.done $0x0  }
0x95: {  	[sflag:s16] =	ssyncadd.s32 $0xFFFFFFFF  }
0x96: {  	s17 =	sld [smem:$0x10];
	(tm) =	ssettm $0x1  }
0x97: {  	s18 =	sld [smem:$0x3FFB];
	_ =	sdelay $0x3  }
0x98: {  	_ =	strace s18  }
0x99: {  	s2 =	sld [smem:$0x3FFC];
	_ =	sdelay $0x3  }
0x9a: {  	_ =	strace s2  }
0x9b: {  	s2 =	sld [smem:$0x3FFD];
	_ =	sdelay $0x3  }
0x9c: {  	_ =	strace s2  }
0x9d: {  	_ =	strace $0x8FFFFFFF  }
0x9e: {  	s19 =	sld [smem:$0x3FDB];
	_ =	sdelay $0x1  }
0x9f: {  	s20 =	simm.s32 $_scs_section_size  }
0xa0: {  	s5 =	simm.s32 $_size__tile_overlayer_lowered;
	s6 =	simm.s32 $_tile_overlayer_lowered  }
0xa1: {  	s7 =	simm.s32 $0x1BFF;
	s21 =	sshll.u32 s6, $0x1;
	s4 =	sadd.s32 s20, s19  }
0xa2: {  	s22 =	simm.s32 $0x0;
	s5 =	sshll.u32 s5, $0x1;
	s6 =	sadd.s32 s21, s4  }
0xa3: {  	[timem:s22], [sflag:s7] =	dma.local [hbm:s6], s5  }
0xa4: {  	_ =	swait.ge [sflag:s7], s5  }
0xa5: {  	s5 =	ssub.s32 $0x0, s5;
	[sflag:s7] =	ssyncset.done $0x0  }
0xa6: {  	[sflag:s7] =	ssyncadd.s32 s5;
	_ =	sdelay $0x1  }
0xa7: {  	s23 =	simm.s32 $0x1B8B  }
0xa8: {  	_ =	swait.ge [sflag:s23], $0x1  }
0xa9: {  	[sflag:s23] =	ssyncset.done $0x0  }
0xaa: {  	[sflag:s23] =	ssyncadd.s32 $0xFFFFFFFF  }
0xab: {  	s5 =	sld [smem:$0x0]  }
0xac: {  	s6 =	sand.u32 $0xFFFFFFFE, s1  }
0xad: {  	p0 =	sne.s32 s1, s6  }
0xae: {  	s6 =	sshll.u32 @p0 s6, $0xE  }
0xaf: {  	s6 =	sadd.s32 @p0 $0x11B8D, s6;
	s7 =	sshll.u32 @p0 s5, $0x11  }
0xb0: {  	s6 =	sor.u32 @p0 s7, s6  }
0xb1: {  	[sflag:s6] =	ssyncadd.remote.s32 @p0 $0x1;
	_ =	sdelay $0x1  }
0xb2: {  	s6 =	simm.s32 @p0 $0x1B8D  }
0xb3: {  	_ =	swait.eq @p0 [sflag:s6], $0x1  }
0xb4: {  	[sflag:s6] =	ssyncadd.s32 @p0 $0xFFFFFFFF  }
0xb5: {  	s7 =	sshll.u32 @!p0 s1, $0xE  }
0xb6: {  	s7 =	sor.u32 @!p0 $0x4000, s7;
	s6 =	simm.s32 @!p0 $0x1B8D  }
0xb7: {  	s5 =	sshll.u32 @!p0 s5, $0x11;
	s7 =	sadd.s32 @!p0 $0x11B8D, s7;
	_ =	swait.eq @!p0 [sflag:s6], $0x1  }
0xb8: {  	s5 =	sor.u32 @!p0 s5, s7;
	[sflag:s6] =	ssyncadd.s32 @!p0 $0xFFFFFFFF  }
0xb9: {  	s25 =	simm.s32 $0x1B8E;
	s24 =	sld [smem:$0x3FFE];
	[sflag:s5] =	ssyncadd.remote.s32 @!p0 $0x1  }
0xba: {  	s26 =	simm.s32 $execute0_lowered;
	[smem:$0x3FD2] =	sst s25  }
0xbb: {  	s6 =	sshll.u32 s26, $0x1;
	_ =	strace $0x80000049;
	[dreg:$0x1] =	wrdreg $0xFFFFFFFF  }
0xbc: {  	s28 =	simm.s32 $_size_execute0_lowered;
	s4 =	sadd.s32 s4, s6;
	[dreg:$0x0] =	wrdreg $0x0  }
0xbd: {  	s6 =	sshll.u32 s28, $0x1;
	[dreg:$0x2] =	wrdreg s4  }
0xbe: {  	[dreg:$0x3] =	wrdreg s6  }
0xbf: {  	[dreg:$0x4] =	wrdreg $0xC0  }
0xc0: {  	_ =	task [dreg:s22], $0x5FFFF  }
0xc1: {  	[dreg:$0x1] =	wrdreg $0xFFFFFFFF  }
0xc2: {  	[dreg:$0x0] =	wrdreg $0x60  }
0xc3: {  	[dreg:$0x2] =	wrdreg s24  }
0xc4: {  	[dreg:$0x3] =	wrdreg s17  }
0xc5: {  	[dreg:$0x4] =	wrdreg $0x9  }
0xc6: {  	_ =	task.clear_ibuf [dreg:s22], $0x5FFFF;
	_ =	strace $0x90000049  }
0xc7: {  	s29 =	simm.s32 $0x9;
	_ =	strace $0x8000004B  }
0xc8: {  	_ =	swait.ge [sflag:s29], $0x1  }
0xc9: {  	[sflag:s29] =	ssyncadd.s32 $0xFFFFFFFF  }
0xca: {  	_ =	strace $0x9000004B  }
0xcb: {  	_ =	sfence  }
0xcc: {  	s30 =	sld [smem:$0x0];
	_ =	sdelay $0x2  }
0xcd: {  	s31 =	sshll.u32 s1, $0xD;
	s1 =	sshrl.u32 s1, $0x2  }
0xce: {  	s4 =	sand.u32 $0x4000, s31;
	s1 =	sadd.s32 s1, s30  }
0xcf: {  	s0 =	sor.u32 s4, s0;
	s1 =	sshll.u32 s1, $0x11  }
0xd0: {  	s0 =	sor.u32 s1, s0  }
0xd1: {  	s0 =	sadd.s32 $0x8F2B, s0  }
0xd2: {  	[sflag:s0] =	ssyncadd.remote.s32 $0x1  }
0xd3: {  	_ =	sfence.sel $0xFFFF  }
0xd4: {  	[dreg:$0x0] =	wrdreg $0xFFFFFFFF;
	(pc) =	sbr.abs _section_cstart, $3  }
0xd5: {  	[dreg:$0x1] =	wrdreg $0xFFFFFFFF  }
0xd6: {  	_ =	task.clear_ibuf [dreg:s22], $0x2FFFF;
	_ =	strace $0x9FFFFFFF  }
0xd7: {  	(tm) =	ssettm $0x7FFFFFFF  }
tec
execute0_lowered:
.L_overlay_start_1:
0x0: {  	(tag) =	ssettag $0x1  }
0x1: {  	s7 =	rddreg [dreg:$0x0]  }
0x2: {  	s2 =	rddreg [dreg:$0x1]  }
0x3: {  	s0 =	rddreg [dreg:$0x2]  }
0x4: {  	s1 =	srdreg.scid;
	_ =	strace $0x8000004A;
	s4 =	simm.s32 $0x1  }
0x5: {  	s9 =	simm.s32 $0x3;
	s11 =	simm.s32 $0x0;
	s5 =	sshll.u32 s1, $0x4  }
.Ltmp0:
0x6: {  	s1 =	stileid.u32;
	s5 =	sand.u32 $0x10, s5;
	(pc) =	sbr.rel .LBB2_1-.Ltmp0, $4  }
0x7: {  	p0 =	por $0x0, $0x0;
	s3 =	sadd.s32 $0x24DE00, s7;
	s6 =	sor.u32 s1, s5  }
0x8: {  	[sflag:s4] =	ssyncpa.u1 $0x0;
	s5 =	simm.s32 $0x2;
	s6 =	sshll.u32 s6, $0x9  }
0x9: {  	s7 =	sadd.s32 $0x3E00, s7;
	[sflag:s5] =	ssyncpa.u1 $0x0;
	s8 =	sadd.s32 $0x200, s6  }
0xa: {  	vm0 =	vmmov $0xff;
	vm1 =	vcmask $0x3F20;
	[sflag:s9] =	ssyncpa.u1 $0x0;
	s10 =	smov.u32 s6;
	s9 =	simm.s32 $0x0  }
.LBB2_7:
0xb: {  	p1 =	slt.u32 s9, $0x2;
	s11 =	sadd.s32 $0x100, s10  }
0xc: {  	s13 =	smov.u32 s6;
	s9 =	sadd.s32 $0x1, s9;
	p2 =	slt.s32 s11, s8  }
0xd: {  	s13 =	smov.u32 @p2 s11;
	p2 =	sne.s32 s9, $0x4  }
.Ltmp1:
0xe: {  	_ = 	snop;
	(pc) =	sbr.rel @!p2 .LBB2_8-.Ltmp1, $4  }
0xf: {  	s12 =	simm.s32 @!p1 $0x3  }
0x10: {  	_ =	swait.ge @!p1 [sflag:s12], $0x8000  }
0x11: {  	p0 =	por !p0, !p0;
	[sflag:s12] =	ssyncset.done @!p1 $0x0  }
0x12: {  	s11 =	smov.u32 s10;
	s10 =	smov.u32 s13;
	[sflag:s12] =	ssyncadd.s32 @!p1 $0xFFFF8000  }
.LBB2_1:
0x13: {  	p1 =	sgt.u32 s9, $0x1  }
0x14: {  	s12 =	sshll.u32 @!p1 s9, $0x8;
	s13 =	sshrl.u32 @!p1 s10, $0x3  }
0x15: {  	s14 =	sand.u32 @!p1 $0x7, s10;
	s12 =	sxor.u32 @!p1 $0x100, s12;
	s13 =	sadd.s32 @!p1 s2, s13  }
0x16: {  	[tilespmem:s12], [sflag:$0x2] =	stream.linear.gather @!p1 [hbm4b:s13+s14], $0x100, $0x38;
	[tilespmem:$0x10200] =	vst v63  }
0x17: {  	p1 =	seq.s32 s9, $0x0  }
0x18: {  	p2 =	seq.s32 @!p1 s9, $0x3  }
0x19: {  	p1 =	por p1, p2  }
.Ltmp2:
0x1a: {  	_ = 	snop;
	(pc) =	sbr.rel @p1 .LBB2_7-.Ltmp2, $1  }
0x1b: {  	_ =	sdelay $0x3  }
0x1c: {  	s12 =	simm.s32 $0x1  }
0x1d: {  	_ =	swait.ge [sflag:s5], $0x100;
	s12 =	simm.s32 @!p0 $0x0  }
0x1e: {  	[sflag:s5] =	ssyncset.done $0x0;
	s14 =	sshll.u32 s12, $0x8  }
0x1f: {  	[sflag:s5] =	ssyncadd.s32 $0xFFFFFF00;
	s13 =	sadd.s32 $0x0, s14  }
0x20: {  	v0 =	vld.msk [tilespmem:s13+$0x0 ss:$0x1], $0xffff;
	_ =	sdelay $0x4  }
0x21: {  	vm2 =	vgt.s32 v0, $0x0  }
0x22: {  	v0 =	vnsel vm2, $0x0, v0  }
0x23: {  	v0 =	vmin.u32 v0, $0xF423F  }
0x24: {  	v0 =	vshll.u32 v0, $0x4;
	_ =	sdelay $0x2  }
0x25: {  	s12 =	sshll.u32 s12, $0xF  }
0x26: {  	s12 =	sor.u32 $0x200, s12  }
0x27: {  	[tilespmem:s12], [sflag:$0x1] =	stream.indirect_vreg.gather [hbm:s3], $0x80, v0, vm0, $0x38;
	[tilespmem:$0x10200] =	vst v63  }
0x28: {  	s15 =	sadd.s32 $0x10, s14;
	s13 =	sadd.s32 $0x400, s12  }
0x29: {  	[tilespmem:s13], [sflag:$0x1] =	stream.indirect_vreg.gather [hbm:s3], $0x80, v0, vm1, $0x38;
	[tilespmem:$0x10200] =	vst v63  }
0x2a: {  	s16 =	simm.s32 $0x80;
	v0 =	vld.msk [tilespmem:s15+$0x0 ss:$0x1], $0xffff;
	s15 =	smov.u32 s12  }
.LBB2_3:
0x2b: {  	p1 =	sne.s32 s16, $0x3C0;
	_ =	sdelay $0x4  }
0x2c: {  	vm2 =	vgt.s32 v0, $0x0  }
0x2d: {  	v0 =	vnsel vm2, $0x0, v0  }
0x2e: {  	v0 =	vmin.u32 v0, $0xF423F  }
0x2f: {  	v0 =	vshll.u32 v0, $0x4;
	_ =	sdelay $0x3  }
.Ltmp3:
0x30: {  	s17 =	sshra.s32 s16, $0x2;
	s15 =	sadd.s32 $0x800, s15;
	(pc) =	sbr.rel @p1 .LBB2_3-.Ltmp3, $4  }
0x31: {  	[tilespmem:s15], [sflag:$0x1] =	stream.indirect_vreg.gather [hbm:s3], $0x80, v0, vm0, $0x38;
	[tilespmem:$0x10200] =	vst v63  }
0x32: {  	s17 =	sadd.s32 s17, s14;
	s18 =	sadd.s32 $0x400, s15  }
0x33: {  	[tilespmem:s18], [sflag:$0x1] =	stream.indirect_vreg.gather [hbm:s3], $0x80, v0, vm1, $0x38;
	[tilespmem:$0x10200] =	vst v63  }
0x34: {  	s16 =	sadd.s32 $0x40, s16;
	v0 =	vld.msk [tilespmem:s17+$0x0 ss:$0x1], $0xffff  }
0x35: {  	_ =	sdelay $0x3  }
0x36: {  	vm2 =	vgt.s32 v0, $0x0  }
0x37: {  	v0 =	vnsel vm2, $0x0, v0  }
0x38: {  	v0 =	vmin.u32 v0, $0xF423F  }
0x39: {  	v0 =	vshll.u32 v0, $0x4;
	_ =	sdelay $0x3  }
0x3a: {  	s14 =	sadd.s32 $0x800, s15  }
0x3b: {  	[tilespmem:s14], [sflag:$0x1] =	stream.indirect_vreg.gather [hbm:s3], $0x80, v0, vm0, $0x38;
	[tilespmem:$0x10200] =	vst v63  }
0x3c: {  	s14 =	sadd.s32 $0x400, s14  }
0x3d: {  	[tilespmem:s14], [sflag:$0x1] =	stream.indirect_vreg.gather [hbm:s3], $0x80, v0, vm1, $0x38;
	[tilespmem:$0x10200] =	vst v63  }
0x3e: {  	s11 =	sshll.u32 s11, $0x4;
	_ =	swait.ge [sflag:s4], $0x8000  }
0x3f: {  	s11 =	sadd.s32 s11, s7;
	[sflag:s4] =	ssyncset.done $0x0  }
0x40: {  	s15 =	sadd.s32 $0x0, s11;
	s14 =	simm.s32 $0x80;
	[sflag:s4] =	ssyncadd.s32 $0xFFFF8000  }
.LBB2_5:
0x41: {  	[hbm:s15] =	stream.linear.scatter [tilespmem:s12], [sflag:$0x3], $0x400, $0x38;
	[tilespmem:$0x10200] =	vst v63  }
0x42: {  	s15 =	smov.u32 s14;
	s12 =	smov.u32 s13;
	p1 =	sne.s32 s14, $0xF80  }
.Ltmp4:
0x43: {  	s14 =	sadd.s32 $0x80, s14;
	(pc) =	sbr.rel @p1 .LBB2_5-.Ltmp4, $2  }
0x44: {  	_ =	sdelay $0x2  }
0x45: {  	s13 =	sadd.s32 $0x400, s13;
	s15 =	sadd.s32 s15, s11  }
.Ltmp5:
0x46: {  	(pc) =	sbr.rel .LBB2_7-.Ltmp5, $2  }
0x47: {  	_ =	sdelay $0x2  }
0x48: {  	[hbm:s15] =	stream.linear.scatter [tilespmem:s12], [sflag:$0x3], $0x400, $0x38;
	[tilespmem:$0x10200] =	vst v63  }
.LBB2_8:
0x49: {  	_ =	sfence.sel $0x180000  }
0x4a: {  	s2 =	simm.s32 $0x2;
	[bflag:$0x0] =	sbarrier.arrive $0xFFFF  }
0x4b: {  	s30 =	simm.s32 $0x3;
	[sflag:s2] =	ssyncpa.u1 $0x1  }
0x4c: {  	s31 =	simm.s32 $0x1;
	[sflag:s30] =	ssyncpa.u1 $0x1  }
0x4d: {  	[sflag:s31] =	ssyncpa.u1 $0x1  }
0x4e: {  	p0 =	sne.s32 s1, $0x0;
	_ =	strace $0x9000004A  }
0x4f: {  	s0 =	sadd.s32 @!p0 $0x100000, s0;
	[bflag:$0x2] =	sbarrier.arrive $0xFFFF  }
0x50: {  	[sflag:s0] =	ssyncadd.tile.s32 @!p0 $0x1;
	_ =	shalt  }
.Lfunc_end2:
_tile_overlayer_lowered:
.L_overlay_start_2:
0x51: {  	(tag) =	ssettag $0x2  }
0x52: {  	s0 =	rddreg [dreg:$0x0];
	s2 =	stileid.u32  }
0x53: {  	s1 =	rddreg [dreg:$0x1];
	p0 =	sne.s32 s2, $0x0  }
0x54: {  	s3 =	rddreg [dreg:$0x2];
	[bflag:$0x3] =	sbarrier.arrive $0xFFFF;
	s2 =	simm.s32 @!p0 $0x1C01  }
0x55: {  	[timem:s3], [sflag:s2] =	dma.local @!p0 [hbm:s0], s1  }
0x56: {  	s0 =	simm.s32 @!p0 $0x1  }
0x57: {  	_ =	swait.ge @!p0 [sflag:s0], s1  }
0x58: {  	s1 =	ssub.s32 @!p0 $0x0, s1;
	[sflag:s0] =	ssyncset.done @!p0 $0x0  }
0x59: {  	[sflag:s0] =	ssyncadd.s32 @!p0 s1  }
0x5a: {  	[bflag:$0x3] =	sbarrier.arrive $0xFFFF  }
0x5b: {  	_ =	shalt  }

// kernel: kernel.4.cloned.1.call-start
scs
__scs_entry_jumppad:
0x0: {  	(pc) =	sbr.rel $0x88, $3  }
0x1: {  	(tag) =	ssettag $0x0;
	lr =	simm.s32 $0x1  }
0x2: {  	[smem:$0x3F84] =	sst lr;
	_ =	strace $0xD0000000  }
0x3: {  	_ = 	snop  }
0x4: {  	_ = 	snop  }
0x5: {  	_ = 	snop  }
0x6: {  	_ = 	snop  }
0x7: {  	_ = 	snop  }
__scs_overlays_trampoline_lowered:
0x8: {  	[smem:$0x3F93] =	sst s0  }
0x9: {  	[smem:$0x3F94] =	sst s1  }
0xa: {  	[smem:$0x3F95] =	sst s2  }
0xb: {  	[smem:$0x3F96] =	sst s3  }
0xc: {  	[smem:$0x3F97] =	sst s4  }
0xd: {  	[smem:$0x3F98] =	sst s5  }
0xe: {  	[smem:$0x3F99] =	sst s6  }
0xf: {  	[smem:$0x3F9A] =	sst s7  }
0x10: {  	[smem:$0x3F9B] =	sst s8  }
0x11: {  	[smem:$0x3F9C] =	sst s9;
	s0 =	simm.s32 @!p0 $0x0  }
0x12: {  	s1 =	sld [smem:$0x3F82];
	s0 =	simm.s32 @p0 $0x1  }
0x13: {  	[smem:$0x3F9D] =	sst s0;
	s0 =	simm.s32 @!p1 $0x0  }
0x14: {  	s2 =	sld [smem:$0x3F81];
	s0 =	simm.s32 @p1 $0x1  }
0x15: {  	[smem:$0x3F9E] =	sst s0;
	s0 =	simm.s32 @!p2 $0x0  }
0x16: {  	s3 =	sld [smem:$0x3FDB];
	s0 =	simm.s32 @p2 $0x1  }
0x17: {  	s4 =	simm.s32 $0x1BF5;
	[smem:$0x3FA0] =	sst s0  }
0x18: {  	s0 =	sld [smem:$0x3F83];
	_ =	swait.ge [sflag:s4], $0x0  }
0x19: {  	s7 =	sld [smem:$0x3F84]  }
0x1a: {  	s8 =	sadd.s32 $0xFFFFE003, lr  }
0x1b: {  	s9 =	sadd.s32 $0xFFFFFEF7, lr;
	s5 =	simm.s32 $0xFFFFFFFF;
	p2 =	slt.u32 s8, $0xFFFFF086  }
0x1c: {  	p1 =	slt.u32 s9, $0xF7A;
	s5 =	simm.s32 @!p2 $0x0  }
0x1d: {  	s5 =	simm.s32 @p1 $0x1;
	p0 =	seq.s32 s7, s2  }
0x1e: {  	s7 =	smul.u32 @!p0 $0xF7A, s2;
	p2 =	seq.s32 @!p0 s5, $0x0  }
0x1f: {  	s9 =	smul.u32 $0xF7A, s1;
	s8 =	simm.s32 @!p0 $0x1BF5;
	p2 =	por !p2, p0  }
0x20: {  	[sflag:s8] =	ssyncset.s32 @!p0 $0xFFFFF086;
	s6 =	sadd.s32 @!p0 s3, s7;
	s7 =	simm.s32 @!p0 $0x108  }
0x21: {  	s3 =	sadd.s32 s3, s9;
	s6 =	sadd.s32 @!p0 $0x88, s6;
	s7 =	simm.s32 @p2 $0x1082  }
0x22: {  	[simem:s7], [sflag:s8] =	dma.local @!p0 [hbm:s6], $0xF7A  }
0x23: {  	s9 =	sor.u32 $0xD0000000, s2;
	s6 =	simm.s32 $0x108;
	_ =	swait.ge @!p0 [sflag:s8], $0x0  }
0x24: {  	s3 =	sadd.s32 $0x88, s3;
	s6 =	simm.s32 @!p1 $0x1082;
	[sflag:s4] =	ssyncset.s32 $0xFFFFF086  }
0x25: {  	[simem:s6], [sflag:s4] =	dma.local [hbm:s3], $0xF7A  }
0x26: {  	[smem:$0x3F84] =	sst s1;
	(tag) =	ssettag s2;
	_ =	strace s9  }
0x27: {  	s1 =	sld [smem:$0x3F94]  }
0x28: {  	s2 =	sld [smem:$0x3F95]  }
0x29: {  	s4 =	sld [smem:$0x3F97]  }
0x2a: {  	p0 =	seq.s32 s5, $0x0;
	s5 =	sld [smem:$0x3F98]  }
0x2b: {  	s6 =	sld [smem:$0x3F99]  }
0x2c: {  	s7 =	sld [smem:$0x3F9A]  }
0x2d: {  	s3 =	simm.s32 $0x108;
	s8 =	sld [smem:$0x3F9B]  }
0x2e: {  	s3 =	simm.s32 @!p0 $0x1082;
	s9 =	sld [smem:$0x3F9C]  }
0x2f: {  	lr =	sadd.s32 s0, s3;
	s0 =	sld [smem:$0x3F93]  }
0x30: {  	s3 =	sld [smem:$0x3F96]  }
0x31: {  	[smem:$0x3F9F] =	sst s10  }
0x32: {  	s10 =	sld [smem:$0x3F9D];
	_ =	sdelay $0x3  }
0x33: {  	p0 =	seq.s32 s10, $0x1;
	s10 =	sld [smem:$0x3F9F];
	_ =	sdelay $0x3  }
0x34: {  	[smem:$0x3F9F] =	sst s10  }
0x35: {  	s10 =	sld [smem:$0x3F9E];
	_ =	sdelay $0x3  }
0x36: {  	p1 =	seq.s32 s10, $0x1;
	s10 =	sld [smem:$0x3F9F];
	_ =	sdelay $0x3  }
0x37: {  	[smem:$0x3F9F] =	sst s10  }
0x38: {  	s10 =	sld [smem:$0x3FA0]  }
0x39: {  	_ = 	snop;
	(pc) =	sbr.ind lr, $3  }
0x3a: {  	_ = 	snop  }
0x3b: {  	_ = 	snop  }
0x3c: {  	p2 =	seq.s32 s10, $0x1;
	s10 =	sld [smem:$0x3F9F]  }
0x3d: {  	_ =	shalt  }
0x3e: {  	_ =	shalt  }
0x3f: {  	_ =	shalt  }
0x40: {  	_ =	shalt  }
0x41: {  	_ =	shalt  }
0x42: {  	_ =	shalt  }
0x43: {  	_ =	shalt  }
0x44: {  	_ =	shalt  }
0x45: {  	_ =	shalt  }
0x46: {  	_ =	shalt  }
0x47: {  	_ =	shalt  }
0x48: {  	_ =	shalt  }
0x49: {  	_ =	shalt  }
0x4a: {  	_ =	shalt  }
0x4b: {  	_ =	shalt  }
0x4c: {  	_ =	shalt  }
0x4d: {  	_ =	shalt  }
0x4e: {  	_ =	shalt  }
0x4f: {  	_ =	shalt  }
0x50: {  	_ =	shalt  }
0x51: {  	_ =	shalt  }
0x52: {  	_ =	shalt  }
0x53: {  	_ =	shalt  }
0x54: {  	_ =	shalt  }
0x55: {  	_ =	shalt  }
0x56: {  	_ =	shalt  }
0x57: {  	_ =	shalt  }
0x58: {  	_ =	shalt  }
0x59: {  	_ =	shalt  }
0x5a: {  	_ =	shalt  }
0x5b: {  	_ =	shalt  }
0x5c: {  	_ =	shalt  }
0x5d: {  	_ =	shalt  }
0x5e: {  	_ =	shalt  }
0x5f: {  	_ =	shalt  }
0x60: {  	_ =	shalt  }
0x61: {  	_ =	shalt  }
0x62: {  	_ =	shalt  }
0x63: {  	_ =	shalt  }
0x64: {  	_ =	shalt  }
0x65: {  	_ =	shalt  }
0x66: {  	_ =	shalt  }
0x67: {  	_ =	shalt  }
0x68: {  	_ =	shalt  }
0x69: {  	_ =	shalt  }
0x6a: {  	_ =	shalt  }
0x6b: {  	_ =	shalt  }
0x6c: {  	_ =	shalt  }
0x6d: {  	_ =	shalt  }
0x6e: {  	_ =	shalt  }
0x6f: {  	_ =	shalt  }
0x70: {  	_ =	shalt  }
0x71: {  	_ =	shalt  }
0x72: {  	_ =	shalt  }
0x73: {  	_ =	shalt  }
0x74: {  	_ =	shalt  }
0x75: {  	_ =	shalt  }
0x76: {  	_ =	shalt  }
0x77: {  	_ =	shalt  }
0x78: {  	_ =	shalt  }
0x79: {  	_ =	shalt  }
0x7a: {  	_ =	shalt  }
0x7b: {  	_ =	shalt  }
0x7c: {  	_ =	shalt  }
0x7d: {  	_ =	shalt  }
0x7e: {  	_ =	shalt  }
0x7f: {  	_ =	shalt  }
0x80: {  	_ =	shalt  }
0x81: {  	_ =	shalt  }
0x82: {  	_ =	shalt  }
0x83: {  	_ =	shalt  }
0x84: {  	_ =	shalt  }
0x85: {  	_ =	shalt  }
0x86: {  	_ =	shalt  }
0x87: {  	_ =	shalt  }
.Lfunc_end0:
.L_simem_size_0:
called_computation.2_lowered:
.L_overlay_start_0:
0x88: {  	s2 =	sld [smem:$0x3FD9]  }
0x89: {  	s3 =	sld [smem:$0x3FFE];
	_ =	sdelay $0x1  }
0x8a: {  	s1 =	srdreg.scid  }
0x8b: {  	s0 =	sand.u32 $0x1, s1  }
0x8c: {  	s14 =	sshll.u32 s0, $0xA;
	s2 =	sadd.s32 s3, s2  }
0x8d: {  	s2 =	sadd.s32 s2, s14  }
0x8e: {  	[smem:$0x3FAB] =	sst s2  }
0x8f: {  	_ = 	snop  }
0x90: {  	s2 =	sld [smem:$0x3FD0];
	_ =	sdelay $0x2  }
0x91: {  	s4 =	simm.s32 $0xC;
	s5 =	simm.s32 $0x10;
	s15 =	sld [smem:$0x3FC3]  }
0x92: {  	[smem:s5], [sflag:s4] =	dma.local [hbm:s2], $0x1  }
0x93: {  	_ =	swait.eq [sflag:s4], $0x1  }
0x94: {  	[sflag:s4] =	ssyncset.done $0x0  }
0x95: {  	[sflag:s4] =	ssyncadd.s32 $0xFFFFFFFF  }
0x96: {  	s16 =	sld [smem:$0x11];
	(tm) =	ssettm $0x1  }
0x97: {  	s17 =	sld [smem:$0x3FFB];
	_ =	sdelay $0x3  }
0x98: {  	_ =	strace s17  }
0x99: {  	s4 =	sld [smem:$0x3FFC];
	_ =	sdelay $0x3  }
0x9a: {  	_ =	strace s4  }
0x9b: {  	s4 =	sld [smem:$0x3FFD];
	_ =	sdelay $0x3  }
0x9c: {  	_ =	strace s4  }
0x9d: {  	_ =	strace $0x8FFFFFFF  }
0x9e: {  	s18 =	sld [smem:$0x3FDB];
	_ =	sdelay $0x1  }
0x9f: {  	s19 =	simm.s32 $_scs_section_size  }
0xa0: {  	s6 =	simm.s32 $_size__tile_overlayer_lowered;
	s7 =	simm.s32 $_tile_overlayer_lowered  }
0xa1: {  	s22 =	simm.s32 $0x1BFF;
	s21 =	sshll.u32 s7, $0x1;
	s4 =	sadd.s32 s19, s18  }
0xa2: {  	s8 =	simm.s32 $0x0;
	s20 =	sshll.u32 s6, $0x1;
	s6 =	sadd.s32 s21, s4  }
0xa3: {  	[timem:s8], [sflag:s22] =	dma.local [hbm:s6], s20  }
0xa4: {  	_ =	swait.ge [sflag:s22], s20  }
0xa5: {  	s5 =	ssub.s32 $0x0, s20;
	[sflag:s22] =	ssyncset.done $0x0  }
0xa6: {  	[sflag:s22] =	ssyncadd.s32 s5;
	_ =	sdelay $0x1  }
0xa7: {  	s23 =	simm.s32 $0x1B8B  }
0xa8: {  	_ =	swait.ge [sflag:s23], $0x1  }
0xa9: {  	[sflag:s23] =	ssyncset.done $0x0  }
0xaa: {  	s25 =	simm.s32 $0x1B8E;
	s24 =	sld [smem:$0x3FFE];
	[sflag:s23] =	ssyncadd.s32 $0xFFFFFFFF  }
0xab: {  	s26 =	simm.s32 $execute0_lowered;
	[smem:$0x3FD2] =	sst s25  }
0xac: {  	s6 =	sshll.u32 s26, $0x1;
	_ =	strace $0x80000046;
	[dreg:$0x1] =	wrdreg $0xFFFFFFFF  }
0xad: {  	s28 =	simm.s32 $_size_execute0_lowered;
	s4 =	sadd.s32 s4, s6;
	[dreg:$0x0] =	wrdreg $0x0  }
0xae: {  	s6 =	sshll.u32 s28, $0x1;
	[dreg:$0x2] =	wrdreg s4  }
0xaf: {  	[dreg:$0x3] =	wrdreg s6  }
0xb0: {  	[dreg:$0x4] =	wrdreg $0xC0  }
0xb1: {  	_ =	task [dreg:s8], $0x5FFFF  }
0xb2: {  	[dreg:$0x1] =	wrdreg $0xFFFFFFFF  }
0xb3: {  	[dreg:$0x0] =	wrdreg $0x60  }
0xb4: {  	[dreg:$0x2] =	wrdreg s24  }
0xb5: {  	[dreg:$0x3] =	wrdreg s15  }
0xb6: {  	[dreg:$0x4] =	wrdreg s16  }
0xb7: {  	[dreg:$0x5] =	wrdreg $0xB  }
0xb8: {  	_ =	task.clear_ibuf [dreg:s8], $0x6FFFF;
	_ =	strace $0x90000046  }
0xb9: {  	s29 =	simm.s32 $0xB;
	_ =	strace $0x80000048  }
0xba: {  	_ =	swait.ge [sflag:s29], $0x1  }
0xbb: {  	[sflag:s29] =	ssyncadd.s32 $0xFFFFFFFF  }
0xbc: {  	_ =	strace $0x90000048  }
0xbd: {  	_ =	sfence  }
0xbe: {  	s30 =	sld [smem:$0x0];
	_ =	sdelay $0x2  }
0xbf: {  	s31 =	sshll.u32 s1, $0xD;
	s1 =	sshrl.u32 s1, $0x2  }
0xc0: {  	s3 =	sand.u32 $0x4000, s31;
	s1 =	sadd.s32 s1, s30  }
0xc1: {  	s0 =	sor.u32 s3, s0;
	s1 =	sshll.u32 s1, $0x11  }
0xc2: {  	s0 =	sor.u32 s1, s0  }
0xc3: {  	s0 =	sadd.s32 $0x8F2B, s0  }
0xc4: {  	[sflag:s0] =	ssyncadd.remote.s32 $0x1  }
0xc5: {  	_ =	sfence.sel $0xFFFF  }
0xc6: {  	[dreg:$0x0] =	wrdreg $0xFFFFFFFF;
	(pc) =	sbr.abs _section_cstart, $3  }
0xc7: {  	[dreg:$0x1] =	wrdreg $0xFFFFFFFF  }
0xc8: {  	_ =	task.clear_ibuf [dreg:s8], $0x2FFFF;
	_ =	strace $0x9FFFFFFF  }
0xc9: {  	(tm) =	ssettm $0x7FFFFFFF  }
tec
execute0_lowered:
.L_overlay_start_1:
0x0: {  	(tag) =	ssettag $0x1  }
0x1: {  	s5 =	rddreg [dreg:$0x0]  }
0x2: {  	s3 =	rddreg [dreg:$0x1]  }
0x3: {  	s1 =	srdreg.scid;
	s0 =	stileid.u32  }
0x4: {  	s14 =	rddreg [dreg:$0x2];
	s15 =	sand.u32 $0x1, s1;
	s4 =	sshll.u32 s0, $0x1  }
0x5: {  	s2 =	simm.s32 $0x0;
	s1 =	rddreg [dreg:$0x3];
	s16 =	sor.u32 s15, s4  }
0x6: {  	[smem:$0x7FF] =	sst s2;
	s4 =	sshll.u32 s16, $0x6  }
0x7: {  	_ =	strace $0x80000047;
	s4 =	sadd.s32 s3, s4;
	s3 =	simm.s32 $0x2  }
0x8: {  	[tilespmem:s2], [sflag:$0x2] =	stream.linear.gather [hbm4b:s4+s2], $0x200, $0x38;
	[tilespmem:$0x8200] =	vst v63  }
0x9: {  	_ =	swait.ge [sflag:s3], $0x200  }
0xa: {  	s6 =	simm.s32 $0x80;
	[sflag:s3] =	ssyncset.done $0x0  }
0xb: {  	s7 =	simm.s32 $0x200;
	s5 =	sadd.s32 $0x18A800, s5;
	[sflag:s3] =	ssyncadd.s32 $0xFFFFFE00  }
0xc: {  	[tilespmem:s7], [sflag:$0x1] =	stream.indirect.gather [hbm4b:s5+s6], $0x40, s2, s6, $0xb8;
	[tilespmem:$0x8200] =	vst v63  }
0xd: {  	s8 =	simm.s32 $0x2200  }
0xe: {  	[tilespmem:s8], [sflag:$0x1] =	stream.indirect.gather [hbm4b:s5+s6], $0x40, s6, s6, $0xb8;
	[tilespmem:$0x8200] =	vst v63  }
0xf: {  	s9 =	simm.s32 $0x100;
	s10 =	simm.s32 $0x4200  }
0x10: {  	[tilespmem:s10], [sflag:$0x1] =	stream.indirect.gather [hbm4b:s5+s6], $0x40, s9, s6, $0xb8;
	[tilespmem:$0x8200] =	vst v63  }
0x11: {  	s11 =	simm.s32 $0x180;
	s12 =	simm.s32 $0x6200;
	s13 =	simm.s32 $0x1  }
0x12: {  	[tilespmem:s12], [sflag:$0x1] =	stream.indirect.gather [hbm4b:s5+s6], $0x40, s11, s6, $0xb8;
	[tilespmem:$0x8200] =	vst v63  }
0x13: {  	_ =	swait.ge [sflag:s13], $0x2000  }
0x14: {  	[sflag:s13] =	ssyncset.done $0x0  }
0x15: {  	[sflag:s13] =	ssyncadd.s32 $0xFFFFE000  }
0x16: {  	_ =	swait.ge [sflag:s13], $0x2000  }
0x17: {  	[sflag:s13] =	ssyncset.done $0x0  }
0x18: {  	s15 =	ssub.s32 $0x2, s15;
	[sflag:s13] =	ssyncadd.s32 $0xFFFFE000  }
0x19: {  	s17 =	sshrl.u32 s15, $0x1;
	_ =	swait.ge [sflag:s13], $0x2000  }
0x1a: {  	s15 =	ssub.s32 s15, s17;
	[sflag:s13] =	ssyncset.done $0x0  }
0x1b: {  	s15 =	smax.u32 s15, $0x1;
	[sflag:s13] =	ssyncadd.s32 $0xFFFFE000  }
0x1c: {  	p0 =	sne.s32 s15, $0x1;
	_ =	swait.ge [sflag:s13], $0x2000  }
.Ltmp0:
0x1d: {  	s16 =	sshll.u32 s16, $0xC;
	[sflag:s13] =	ssyncset.done $0x0;
	(pc) =	sbr.rel @!p0 .LBB2_2-.Ltmp0, $4  }
0x1e: {  	s14 =	sadd.s32 s14, s16;
	[sflag:s13] =	ssyncadd.s32 $0xFFFFE000  }
0x1f: {  	[hbm4b:s14+s2] =	stream.linear.scatter [tilespmem:s7], [sflag:$0x2], $0x8000, $0x38;
	[tilespmem:$0x8200] =	vst v63  }
0x20: {  	_ =	swait.ge [sflag:s3], $0x8000  }
0x21: {  	s15 =	sadd.s32 $0xFFFFFFFF, s15;
	[sflag:s3] =	ssyncset.done $0x0  }
.LBB2_1:
0x22: {  	p0 =	sne.s32 s15, $0x1;
	s15 =	sadd.s32 $0xFFFFFFFF, s15;
	[sflag:s3] =	ssyncadd.s32 $0xFFFF8000  }
0x23: {  	[tilespmem:s2], [sflag:$0x2] =	stream.linear.gather [hbm4b:s4+s2], $0x200, $0x38;
	[tilespmem:$0x8200] =	vst v63  }
0x24: {  	_ =	swait.ge [sflag:s3], $0x200  }
0x25: {  	[sflag:s3] =	ssyncset.done $0x0  }
0x26: {  	[sflag:s3] =	ssyncadd.s32 $0xFFFFFE00  }
0x27: {  	[tilespmem:s7], [sflag:$0x1] =	stream.indirect.gather [hbm4b:s5+s6], $0x40, s2, s6, $0xb8;
	[tilespmem:$0x8200] =	vst v63  }
0x28: {  	_ = 	snop  }
0x29: {  	[tilespmem:s8], [sflag:$0x1] =	stream.indirect.gather [hbm4b:s5+s6], $0x40, s6, s6, $0xb8;
	[tilespmem:$0x8200] =	vst v63  }
0x2a: {  	_ = 	snop  }
0x2b: {  	[tilespmem:s10], [sflag:$0x1] =	stream.indirect.gather [hbm4b:s5+s6], $0x40, s9, s6, $0xb8;
	[tilespmem:$0x8200] =	vst v63  }
0x2c: {  	_ = 	snop  }
0x2d: {  	[tilespmem:s12], [sflag:$0x1] =	stream.indirect.gather [hbm4b:s5+s6], $0x40, s11, s6, $0xb8;
	[tilespmem:$0x8200] =	vst v63  }
0x2e: {  	_ =	swait.ge [sflag:s13], $0x2000  }
0x2f: {  	[sflag:s13] =	ssyncset.done $0x0  }
0x30: {  	[sflag:s13] =	ssyncadd.s32 $0xFFFFE000  }
0x31: {  	_ =	swait.ge [sflag:s13], $0x2000  }
0x32: {  	[sflag:s13] =	ssyncset.done $0x0  }
0x33: {  	[sflag:s13] =	ssyncadd.s32 $0xFFFFE000  }
0x34: {  	_ =	swait.ge [sflag:s13], $0x2000  }
0x35: {  	[sflag:s13] =	ssyncset.done $0x0  }
0x36: {  	[sflag:s13] =	ssyncadd.s32 $0xFFFFE000  }
0x37: {  	_ =	swait.ge [sflag:s13], $0x2000  }
.Ltmp1:
0x38: {  	[sflag:s13] =	ssyncset.done $0x0;
	(pc) =	sbr.rel @p0 .LBB2_1-.Ltmp1, $4  }
0x39: {  	[sflag:s13] =	ssyncadd.s32 $0xFFFFE000  }
0x3a: {  	[hbm4b:s14+s2] =	stream.linear.scatter [tilespmem:s7], [sflag:$0x2], $0x8000, $0x38;
	[tilespmem:$0x8200] =	vst v63  }
0x3b: {  	_ =	swait.ge [sflag:s3], $0x8000  }
0x3c: {  	[sflag:s3] =	ssyncset.done $0x0  }
.LBB2_2:
0x3d: {  	[sflag:s3] =	ssyncadd.s32 $0xFFFF8000  }
0x3e: {  	_ =	sfence.sel $0x180000  }
0x3f: {  	[bflag:$0x0] =	sbarrier.arrive $0xFFFF  }
0x40: {  	p0 =	sne.s32 s0, $0x0;
	_ =	strace $0x90000047  }
0x41: {  	s0 =	sadd.s32 @!p0 $0x100000, s1;
	[bflag:$0x2] =	sbarrier.arrive $0xFFFF  }
0x42: {  	[sflag:s0] =	ssyncadd.tile.s32 @!p0 $0x1;
	_ =	shalt  }
.Lfunc_end2:
_tile_overlayer_lowered:
.L_overlay_start_2:
0x43: {  	(tag) =	ssettag $0x2  }
0x44: {  	s0 =	rddreg [dreg:$0x0];
	s2 =	stileid.u32  }
0x45: {  	s1 =	rddreg [dreg:$0x1];
	p0 =	sne.s32 s2, $0x0  }
0x46: {  	s3 =	rddreg [dreg:$0x2];
	[bflag:$0x3] =	sbarrier.arrive $0xFFFF;
	s2 =	simm.s32 @!p0 $0x1C02  }
0x47: {  	[timem:s3], [sflag:s2] =	dma.local @!p0 [hbm:s0], s1  }
0x48: {  	s0 =	simm.s32 @!p0 $0x2  }
0x49: {  	_ =	swait.ge @!p0 [sflag:s0], s1  }
0x4a: {  	s1 =	ssub.s32 @!p0 $0x0, s1;
	[sflag:s0] =	ssyncset.done @!p0 $0x0  }
0x4b: {  	[sflag:s0] =	ssyncadd.s32 @!p0 s1  }
0x4c: {  	[bflag:$0x3] =	sbarrier.arrive $0xFFFF  }
0x4d: {  	_ =	shalt  }

</sc_bundles>
